<compile_context>
chip_gen: v7x
topology: tpu7x:2x2x1
jax: 0.10.2.dev20260603
libtpu: 0.0.44.dev20260713+nightly
codegen_flags: <defaults>
</compile_context>

<pallas_src>
import functools

import jax
import jax.numpy as jnp
from jax import lax
from jax.experimental import pallas as pl
from jax.experimental.pallas import tpu as pltpu
from jax.experimental.pallas import tpu_sc as plsc

_B, _H, _S, _D = 8, 16, 2048, 128
_L = 16
_HB = 8
_R = _B * _H * _S
_RV = _B * _H * _L

_BSC = 2
_NW = 32
_SLABS_PW = (_BSC * _H) // _NW
_ROWS_PW = _SLABS_PW * _S
_BLK = 256
_NBLK = _ROWS_PW // _BLK


def _tc_body(pos_ref, c_ref, v_ref, o_ref):
    o_ref[...] = c_ref[...]
    p0 = pos_ref[0]
    for h in range(_HB):
        o_ref[0, h, pl.ds(p0, _L), :] = v_ref[0, h, :, :]


def _tc_update_k(cache, pos, val):
    cache_spec = pl.BlockSpec((1, _HB, _S, _D), lambda i, j, p: (i, j, 0, 0))
    val_spec = pl.BlockSpec((1, _HB, _L, _D), lambda i, j, p: (i, j, 0, 0))
    return pl.pallas_call(
        _tc_body,
        grid_spec=pltpu.PrefetchScalarGridSpec(
            num_scalar_prefetch=1,
            grid=(_B, _H // _HB),
            in_specs=[cache_spec, val_spec],
            out_specs=cache_spec,
        ),
        out_shape=jax.ShapeDtypeStruct((_B, _H, _S, _D), jnp.float32),
        compiler_params=pltpu.CompilerParams(
            dimension_semantics=("arbitrary", "arbitrary"),
        ),
    )(pos, cache, val)


def _tc_fill_v_tail(v_partial2d, cache2d, pos, val2d):
    nj = _H // _HB
    read_spec = pl.BlockSpec(
        (_HB * _S, _D), lambda i, j, p: ((i + _BSC) * nj + j, 0))
    val_spec = pl.BlockSpec(
        (_HB * _L, _D), lambda i, j, p: ((i + _BSC) * nj + j, 0))
    alias_spec = pl.BlockSpec(memory_space=pltpu.HBM)

    def body(pos_ref, vp_ref, c_ref, v_ref, o_ref):
        o_ref[...] = c_ref[...]
        p0 = pos_ref[0]
        for h in range(_HB):
            o_ref[pl.ds(h * _S + p0, _L), :] = v_ref[pl.ds(h * _L, _L), :]

    return pl.pallas_call(
        body,
        grid_spec=pltpu.PrefetchScalarGridSpec(
            num_scalar_prefetch=1,
            grid=(_B - _BSC, nj),
            in_specs=[alias_spec, read_spec, val_spec],
            out_specs=read_spec,
        ),
        out_shape=jax.ShapeDtypeStruct((_R, _D), jnp.float32),
        input_output_aliases={1: 0},
        compiler_params=pltpu.CompilerParams(
            dimension_semantics=("arbitrary", "arbitrary"),
        ),
    )(pos, v_partial2d, cache2d, val2d)


def _sc_update_v_head(cache2d, pos, val2d):
    mesh = plsc.VectorSubcoreMesh(core_axis_name="c", subcore_axis_name="s")

    @functools.partial(
        pl.kernel, mesh=mesh,
        out_type=jax.ShapeDtypeStruct((_R, _D), jnp.float32),
        scratch_types=[
            pltpu.VMEM((_BLK, _D), jnp.float32),
            pltpu.VMEM((_BLK, _D), jnp.float32),
            pltpu.VMEM((_SLABS_PW * _L, _D), jnp.float32),
            pltpu.VMEM((_L,), jnp.int32),
            pltpu.VMEM((_SLABS_PW * _L,), jnp.int32),
            pltpu.SemaphoreType.DMA,
            pltpu.SemaphoreType.DMA,
            pltpu.SemaphoreType.DMA,
            pltpu.SemaphoreType.DMA,
            pltpu.SemaphoreType.DMA,
        ],
    )
    def k(pos_hbm, c_hbm, v_hbm, o_hbm,
          buf0, buf1, vbuf, pos_v, idx_v, rs0, rs1, ws0, ws1, vs):
        wid = lax.axis_index("s") * 2 + lax.axis_index("c")
        base = wid * _ROWS_PW
        vread = pltpu.make_async_copy(
            v_hbm.at[pl.ds(wid * (_SLABS_PW * _L), _SLABS_PW * _L)], vbuf, vs)
        vread.start()
        pltpu.sync_copy(pos_hbm, pos_v)
        pvec = pos_v[...]
        for t in range(_SLABS_PW):
            idx_v[pl.ds(t * _L, _L)] = pvec + (base + t * _S)

        bufs = (buf0, buf1)
        rsems = (rs0, rs1)
        wsems = (ws0, ws1)
        reads = [None, None]
        writes = [None, None]
        reads[0] = pltpu.make_async_copy(
            c_hbm.at[pl.ds(base, _BLK)], buf0, rs0)
        reads[0].start()
        for i in range(_NBLK):
            cur = i & 1
            nxt = 1 - cur
            if i + 1 < _NBLK:
                if writes[nxt] is not None:
                    writes[nxt].wait()
                    writes[nxt] = None
                reads[nxt] = pltpu.make_async_copy(
                    c_hbm.at[pl.ds(base + (i + 1) * _BLK, _BLK)],
                    bufs[nxt], rsems[nxt])
                reads[nxt].start()
            reads[cur].wait()
            writes[cur] = pltpu.make_async_copy(
                bufs[cur], o_hbm.at[pl.ds(base + i * _BLK, _BLK)], wsems[cur])
            writes[cur].start()
        for j in range(2):
            if writes[j] is not None:
                writes[j].wait()
        vread.wait()
        pltpu.sync_copy(vbuf, o_hbm.at[idx_v])

    return k(pos, cache2d, val2d)


def kernel(k_cache, v_cache, input_pos, k_val, v_val):
    k_new = _tc_update_k(k_cache, input_pos, k_val)
    vc2d = v_cache.reshape(_R, _D)
    vv2d = v_val.reshape(_RV, _D)
    v_head = _sc_update_v_head(vc2d, input_pos, vv2d)
    v_new = _tc_fill_v_tail(v_head, vc2d, input_pos, vv2d)
    return (k_new, v_new.reshape(_B, _H, _S, _D))

# --- scband reference (transcript-rebuilt; emitter-appended) ---
"""Pipeline reference for scband-kvcache-67018669686911 (READ-ONLY COPY).

The authoritative reference and input builder live on the scoring server;
editing this copy changes nothing except your own understanding.
"""

import jax, jax.numpy as jnp
import numpy as np

B, H, S, D = 8, 16, 2048, 128
L = 16

def setup_inputs(seed: int = 0) -> dict:
    key = jax.random.key(seed)
    k1, k2 = jax.random.split(key)
    k_val = jax.random.normal(k1, (B, H, L, D), dtype=jnp.float32)
    v_val = jax.random.normal(k2, (B, H, L, D), dtype=jnp.float32)
    input_pos = jnp.arange(L, dtype=jnp.int32)
    # learned/persistent buffers sized per init_kwargs (max_batch_size, n_heads, max_seq_length, head_size)
    k_cache = jnp.zeros((B, H, S, D), dtype=jnp.float32)
    v_cache = jnp.zeros((B, H, S, D), dtype=jnp.float32)
    return {"k_cache": k_cache, "v_cache": v_cache, "input_pos": input_pos, "k_val": k_val, "v_val": v_val}

def reference(k_cache, v_cache, input_pos, k_val, v_val):
    # scatter-overwrite into the time axis of the KV cache (functional update in jax)
    k_new = k_cache.at[:, :, input_pos].set(k_val)
    v_new = v_cache.at[:, :, input_pos].set(v_val)
    return (k_new, v_new)

if __name__ == "__main__":
    import jax
    _d = setup_inputs()
    print(jax.jit(kernel)(*tuple(_d.values())))

</pallas_src>

<mosaic_0001>
#map = affine_map<(d0, d1) -> (0)>
#map1 = affine_map<(d0, d1) -> (0, 0)>
module attributes {stable_mosaic.version = 14 : i64} {
  func.func @k(%arg0: i32, %arg1: i32, %arg2: memref<16xi32, #tpu.memory_space<hbm>>, %arg3: memref<262144x128xf32, #tpu.memory_space<hbm>>, %arg4: memref<2048x128xf32, #tpu.memory_space<hbm>>, %arg5: memref<262144x128xf32, #tpu.memory_space<hbm>>, %arg6: memref<256x128xf32, #tpu.memory_space<vmem>>, %arg7: memref<256x128xf32, #tpu.memory_space<vmem>>, %arg8: memref<16x128xf32, #tpu.memory_space<vmem>>, %arg9: memref<16xi32, #tpu.memory_space<vmem>>, %arg10: memref<16xi32, #tpu.memory_space<vmem>>, %arg11: memref<!tpu.dma_semaphore, #tpu.memory_space<semaphore_mem>>, %arg12: memref<!tpu.dma_semaphore, #tpu.memory_space<semaphore_mem>>, %arg13: memref<!tpu.dma_semaphore, #tpu.memory_space<semaphore_mem>>, %arg14: memref<!tpu.dma_semaphore, #tpu.memory_space<semaphore_mem>>, %arg15: memref<!tpu.dma_semaphore, #tpu.memory_space<semaphore_mem>>) attributes {dimension_semantics = [#tpu.dimension_semantics<core_parallel>, #tpu.dimension_semantics<subcore_parallel>], iteration_bounds = array<i64: 2, 16>, scalar_prefetch = 0 : i64, scratch_operands = 10 : i64, tpu.core_type = #tpu.core_type<sc_vector_subcore>, window_params = [{transform_indices = #map}, {transform_indices = #map1}, {transform_indices = #map1}, {transform_indices = #map1}]} {
    %mul3A = arith.constant 2 : i32
    %mul3A_0 = arith.muli %arg1, %mul3A : i32
    %add3A = arith.addi %mul3A_0, %arg0 : i32
    %mul3A_1 = arith.constant 2048 : i32
    %mul3A_2 = arith.muli %add3A, %mul3A_1 : i32
    %mul3A_3 = arith.constant 16 : i32
    %mul3A_4 = arith.muli %add3A, %mul3A_3 : i32
    %dma_start3A = arith.constant 0 : i32
    %dma_start3A_5 = tpu.memref_slice %arg4[%mul3A_4, %dma_start3A] : memref<2048x128xf32, #tpu.memory_space<hbm>> -> memref<16x128xf32, #tpu.memory_space<hbm>>
    %dma_start3A_6 = arith.constant 0 : i32
    %dma_start3A_7 = tpu.memref_slice %arg4[%mul3A_4, %dma_start3A_6] : memref<2048x128xf32, #tpu.memory_space<hbm>> -> memref<16x128xf32, #tpu.memory_space<hbm>>
    tpu.enqueue_dma source(%dma_start3A_7 : memref<16x128xf32, #tpu.memory_space<hbm>>) target(%arg8 : memref<16x128xf32, #tpu.memory_space<vmem>>) target_semaphore(%arg15 : memref<!tpu.dma_semaphore, #tpu.memory_space<semaphore_mem>>)
    "tpu.region"() ({
      %run_scoped3A = tpu.sem_alloc : memref<!tpu.dma_semaphore, #tpu.memory_space<semaphore_mem>>
      tpu.enqueue_dma source(%arg2 : memref<16xi32, #tpu.memory_space<hbm>>) target(%arg9 : memref<16xi32, #tpu.memory_space<vmem>>) target_semaphore(%run_scoped3A : memref<!tpu.dma_semaphore, #tpu.memory_space<semaphore_mem>>)
      tpu.wait_dma2 semaphore(%run_scoped3A : memref<!tpu.dma_semaphore, #tpu.memory_space<semaphore_mem>>) src(%arg2 : memref<16xi32, #tpu.memory_space<hbm>>) dst(%arg9 : memref<16xi32, #tpu.memory_space<vmem>>)
      tpu.yield
    }) : () -> ()
    %get3A = arith.constant 0 : index
    %get3A_8 = tpu.vector_load %arg9[%get3A] {strides = array<i32>} : memref<16xi32, #tpu.memory_space<vmem>>, vector<16xi32>,
    %get3A_9 = vector.shape_cast %get3A_8 : vector<16xi32> to vector<16xi32>
    %add3A_10 = arith.constant 0 : i32
    %add3A_11 = arith.addi %mul3A_2, %add3A_10 : i32
    %add3A_12 = vector.broadcast %add3A_11 : i32 to vector<16xi32>
    %add3A_13 = arith.addi %get3A_9, %add3A_12 : vector<16xi32>
    %swap3A = arith.constant 0 : index
    %swap3A_14 = tpu.vector_load %arg10[%swap3A] {strides = array<i32>} : memref<16xi32, #tpu.memory_space<vmem>>, vector<16xi32>,
    %swap3A_15 = vector.shape_cast %swap3A_14 : vector<16xi32> to vector<16xi32>
    %swap3A_16 = vector.shape_cast %add3A_13 : vector<16xi32> to vector<16xi32>
    tpu.vector_store %arg10[%swap3A], %swap3A_16 {strides = array<i32>} : memref<16xi32, #tpu.memory_space<vmem>>, vector<16xi32>,
    %dma_start3A_17 = arith.constant 0 : i32
    %dma_start3A_18 = tpu.memref_slice %arg3[%mul3A_2, %dma_start3A_17] : memref<262144x128xf32, #tpu.memory_space<hbm>> -> memref<256x128xf32, #tpu.memory_space<hbm>>
    %dma_start3A_19 = arith.constant 0 : i32
    %dma_start3A_20 = tpu.memref_slice %arg3[%mul3A_2, %dma_start3A_19] : memref<262144x128xf32, #tpu.memory_space<hbm>> -> memref<256x128xf32, #tpu.memory_space<hbm>>
    tpu.enqueue_dma source(%dma_start3A_20 : memref<256x128xf32, #tpu.memory_space<hbm>>) target(%arg6 : memref<256x128xf32, #tpu.memory_space<vmem>>) target_semaphore(%arg11 : memref<!tpu.dma_semaphore, #tpu.memory_space<semaphore_mem>>)
    %add3A_21 = arith.constant 256 : i32
    %add3A_22 = arith.addi %mul3A_2, %add3A_21 : i32
    %dma_start3A_23 = arith.constant 0 : i32
    %dma_start3A_24 = tpu.memref_slice %arg3[%add3A_22, %dma_start3A_23] : memref<262144x128xf32, #tpu.memory_space<hbm>> -> memref<256x128xf32, #tpu.memory_space<hbm>>
    %dma_start3A_25 = arith.constant 0 : i32
    %dma_start3A_26 = tpu.memref_slice %arg3[%add3A_22, %dma_start3A_25] : memref<262144x128xf32, #tpu.memory_space<hbm>> -> memref<256x128xf32, #tpu.memory_space<hbm>>
    tpu.enqueue_dma source(%dma_start3A_26 : memref<256x128xf32, #tpu.memory_space<hbm>>) target(%arg7 : memref<256x128xf32, #tpu.memory_space<vmem>>) target_semaphore(%arg12 : memref<!tpu.dma_semaphore, #tpu.memory_space<semaphore_mem>>)
    %dma_wait3A = arith.constant 0 : i32
    %dma_wait3A_27 = tpu.memref_slice %arg3[%mul3A_2, %dma_wait3A] : memref<262144x128xf32, #tpu.memory_space<hbm>> -> memref<256x128xf32, #tpu.memory_space<hbm>>
    %dma_wait3A_28 = arith.constant 0 : i32
    %dma_wait3A_29 = tpu.memref_slice %arg3[%mul3A_2, %dma_wait3A_28] : memref<262144x128xf32, #tpu.memory_space<hbm>> -> memref<256x128xf32, #tpu.memory_space<hbm>>
    tpu.wait_dma2 semaphore(%arg11 : memref<!tpu.dma_semaphore, #tpu.memory_space<semaphore_mem>>) src(%dma_wait3A_29 : memref<256x128xf32, #tpu.memory_space<hbm>>) dst(%arg6 : memref<256x128xf32, #tpu.memory_space<vmem>>)
    %add3A_30 = arith.constant 0 : i32
    %add3A_31 = arith.addi %mul3A_2, %add3A_30 : i32
    %dma_start3A_32 = arith.constant 0 : i32
    %dma_start3A_33 = tpu.memref_slice %arg5[%add3A_31, %dma_start3A_32] : memref<262144x128xf32, #tpu.memory_space<hbm>> -> memref<256x128xf32, #tpu.memory_space<hbm>>
    %dma_start3A_34 = arith.constant 0 : i32
    %dma_start3A_35 = tpu.memref_slice %arg5[%add3A_31, %dma_start3A_34] : memref<262144x128xf32, #tpu.memory_space<hbm>> -> memref<256x128xf32, #tpu.memory_space<hbm>>
    tpu.enqueue_dma source(%arg6 : memref<256x128xf32, #tpu.memory_space<vmem>>) target(%dma_start3A_35 : memref<256x128xf32, #tpu.memory_space<hbm>>) target_semaphore(%arg13 : memref<!tpu.dma_semaphore, #tpu.memory_space<semaphore_mem>>)
    %dma_wait3A_36 = arith.constant 0 : i32
    %dma_wait3A_37 = tpu.memref_slice %arg5[%add3A_31, %dma_wait3A_36] : memref<262144x128xf32, #tpu.memory_space<hbm>> -> memref<256x128xf32, #tpu.memory_space<hbm>>
    %dma_wait3A_38 = arith.constant 0 : i32
    %dma_wait3A_39 = tpu.memref_slice %arg5[%add3A_31, %dma_wait3A_38] : memref<262144x128xf32, #tpu.memory_space<hbm>> -> memref<256x128xf32, #tpu.memory_space<hbm>>
    tpu.wait_dma2 semaphore(%arg13 : memref<!tpu.dma_semaphore, #tpu.memory_space<semaphore_mem>>) src(%arg6 : memref<256x128xf32, #tpu.memory_space<vmem>>) dst(%dma_wait3A_39 : memref<256x128xf32, #tpu.memory_space<hbm>>)
    %add3A_40 = arith.constant 512 : i32
    %add3A_41 = arith.addi %mul3A_2, %add3A_40 : i32
    %dma_start3A_42 = arith.constant 0 : i32
    %dma_start3A_43 = tpu.memref_slice %arg3[%add3A_41, %dma_start3A_42] : memref<262144x128xf32, #tpu.memory_space<hbm>> -> memref<256x128xf32, #tpu.memory_space<hbm>>
    %dma_start3A_44 = arith.constant 0 : i32
    %dma_start3A_45 = tpu.memref_slice %arg3[%add3A_41, %dma_start3A_44] : memref<262144x128xf32, #tpu.memory_space<hbm>> -> memref<256x128xf32, #tpu.memory_space<hbm>>
    tpu.enqueue_dma source(%dma_start3A_45 : memref<256x128xf32, #tpu.memory_space<hbm>>) target(%arg6 : memref<256x128xf32, #tpu.memory_space<vmem>>) target_semaphore(%arg11 : memref<!tpu.dma_semaphore, #tpu.memory_space<semaphore_mem>>)
    %dma_wait3A_46 = arith.constant 0 : i32
    %dma_wait3A_47 = tpu.memref_slice %arg3[%add3A_22, %dma_wait3A_46] : memref<262144x128xf32, #tpu.memory_space<hbm>> -> memref<256x128xf32, #tpu.memory_space<hbm>>
    %dma_wait3A_48 = arith.constant 0 : i32
    %dma_wait3A_49 = tpu.memref_slice %arg3[%add3A_22, %dma_wait3A_48] : memref<262144x128xf32, #tpu.memory_space<hbm>> -> memref<256x128xf32, #tpu.memory_space<hbm>>
    tpu.wait_dma2 semaphore(%arg12 : memref<!tpu.dma_semaphore, #tpu.memory_space<semaphore_mem>>) src(%dma_wait3A_49 : memref<256x128xf32, #tpu.memory_space<hbm>>) dst(%arg7 : memref<256x128xf32, #tpu.memory_space<vmem>>)
    %add3A_50 = arith.constant 256 : i32
    %add3A_51 = arith.addi %mul3A_2, %add3A_50 : i32
    %dma_start3A_52 = arith.constant 0 : i32
    %dma_start3A_53 = tpu.memref_slice %arg5[%add3A_51, %dma_start3A_52] : memref<262144x128xf32, #tpu.memory_space<hbm>> -> memref<256x128xf32, #tpu.memory_space<hbm>>
    %dma_start3A_54 = arith.constant 0 : i32
    %dma_start3A_55 = tpu.memref_slice %arg5[%add3A_51, %dma_start3A_54] : memref<262144x128xf32, #tpu.memory_space<hbm>> -> memref<256x128xf32, #tpu.memory_space<hbm>>
    tpu.enqueue_dma source(%arg7 : memref<256x128xf32, #tpu.memory_space<vmem>>) target(%dma_start3A_55 : memref<256x128xf32, #tpu.memory_space<hbm>>) target_semaphore(%arg14 : memref<!tpu.dma_semaphore, #tpu.memory_space<semaphore_mem>>)
    %dma_wait3A_56 = arith.constant 0 : i32
    %dma_wait3A_57 = tpu.memref_slice %arg5[%add3A_51, %dma_wait3A_56] : memref<262144x128xf32, #tpu.memory_space<hbm>> -> memref<256x128xf32, #tpu.memory_space<hbm>>
    %dma_wait3A_58 = arith.constant 0 : i32
    %dma_wait3A_59 = tpu.memref_slice %arg5[%add3A_51, %dma_wait3A_58] : memref<262144x128xf32, #tpu.memory_space<hbm>> -> memref<256x128xf32, #tpu.memory_space<hbm>>
    tpu.wait_dma2 semaphore(%arg14 : memref<!tpu.dma_semaphore, #tpu.memory_space<semaphore_mem>>) src(%arg7 : memref<256x128xf32, #tpu.memory_space<vmem>>) dst(%dma_wait3A_59 : memref<256x128xf32, #tpu.memory_space<hbm>>)
    %add3A_60 = arith.constant 768 : i32
    %add3A_61 = arith.addi %mul3A_2, %add3A_60 : i32
    %dma_start3A_62 = arith.constant 0 : i32
    %dma_start3A_63 = tpu.memref_slice %arg3[%add3A_61, %dma_start3A_62] : memref<262144x128xf32, #tpu.memory_space<hbm>> -> memref<256x128xf32, #tpu.memory_space<hbm>>
    %dma_start3A_64 = arith.constant 0 : i32
    %dma_start3A_65 = tpu.memref_slice %arg3[%add3A_61, %dma_start3A_64] : memref<262144x128xf32, #tpu.memory_space<hbm>> -> memref<256x128xf32, #tpu.memory_space<hbm>>
    tpu.enqueue_dma source(%dma_start3A_65 : memref<256x128xf32, #tpu.memory_space<hbm>>) target(%arg7 : memref<256x128xf32, #tpu.memory_space<vmem>>) target_semaphore(%arg12 : memref<!tpu.dma_semaphore, #tpu.memory_space<semaphore_mem>>)
    %dma_wait3A_66 = arith.constant 0 : i32
    %dma_wait3A_67 = tpu.memref_slice %arg3[%add3A_41, %dma_wait3A_66] : memref<262144x128xf32, #tpu.memory_space<hbm>> -> memref<256x128xf32, #tpu.memory_space<hbm>>
    %dma_wait3A_68 = arith.constant 0 : i32
    %dma_wait3A_69 = tpu.memref_slice %arg3[%add3A_41, %dma_wait3A_68] : memref<262144x128xf32, #tpu.memory_space<hbm>> -> memref<256x128xf32, #tpu.memory_space<hbm>>
    tpu.wait_dma2 semaphore(%arg11 : memref<!tpu.dma_semaphore, #tpu.memory_space<semaphore_mem>>) src(%dma_wait3A_69 : memref<256x128xf32, #tpu.memory_space<hbm>>) dst(%arg6 : memref<256x128xf32, #tpu.memory_space<vmem>>)
    %add3A_70 = arith.constant 512 : i32
    %add3A_71 = arith.addi %mul3A_2, %add3A_70 : i32
    %dma_start3A_72 = arith.constant 0 : i32
    %dma_start3A_73 = tpu.memref_slice %arg5[%add3A_71, %dma_start3A_72] : memref<262144x128xf32, #tpu.memory_space<hbm>> -> memref<256x128xf32, #tpu.memory_space<hbm>>
    %dma_start3A_74 = arith.constant 0 : i32
    %dma_start3A_75 = tpu.memref_slice %arg5[%add3A_71, %dma_start3A_74] : memref<262144x128xf32, #tpu.memory_space<hbm>> -> memref<256x128xf32, #tpu.memory_space<hbm>>
    tpu.enqueue_dma source(%arg6 : memref<256x128xf32, #tpu.memory_space<vmem>>) target(%dma_start3A_75 : memref<256x128xf32, #tpu.memory_space<hbm>>) target_semaphore(%arg13 : memref<!tpu.dma_semaphore, #tpu.memory_space<semaphore_mem>>)
    %dma_wait3A_76 = arith.constant 0 : i32
    %dma_wait3A_77 = tpu.memref_slice %arg5[%add3A_71, %dma_wait3A_76] : memref<262144x128xf32, #tpu.memory_space<hbm>> -> memref<256x128xf32, #tpu.memory_space<hbm>>
    %dma_wait3A_78 = arith.constant 0 : i32
    %dma_wait3A_79 = tpu.memref_slice %arg5[%add3A_71, %dma_wait3A_78] : memref<262144x128xf32, #tpu.memory_space<hbm>> -> memref<256x128xf32, #tpu.memory_space<hbm>>
    tpu.wait_dma2 semaphore(%arg13 : memref<!tpu.dma_semaphore, #tpu.memory_space<semaphore_mem>>) src(%arg6 : memref<256x128xf32, #tpu.memory_space<vmem>>) dst(%dma_wait3A_79 : memref<256x128xf32, #tpu.memory_space<hbm>>)
    %add3A_80 = arith.constant 1024 : i32
    %add3A_81 = arith.addi %mul3A_2, %add3A_80 : i32
    %dma_start3A_82 = arith.constant 0 : i32
    %dma_start3A_83 = tpu.memref_slice %arg3[%add3A_81, %dma_start3A_82] : memref<262144x128xf32, #tpu.memory_space<hbm>> -> memref<256x128xf32, #tpu.memory_space<hbm>>
    %dma_start3A_84 = arith.constant 0 : i32
    %dma_start3A_85 = tpu.memref_slice %arg3[%add3A_81, %dma_start3A_84] : memref<262144x128xf32, #tpu.memory_space<hbm>> -> memref<256x128xf32, #tpu.memory_space<hbm>>
    tpu.enqueue_dma source(%dma_start3A_85 : memref<256x128xf32, #tpu.memory_space<hbm>>) target(%arg6 : memref<256x128xf32, #tpu.memory_space<vmem>>) target_semaphore(%arg11 : memref<!tpu.dma_semaphore, #tpu.memory_space<semaphore_mem>>)
    %dma_wait3A_86 = arith.constant 0 : i32
    %dma_wait3A_87 = tpu.memref_slice %arg3[%add3A_61, %dma_wait3A_86] : memref<262144x128xf32, #tpu.memory_space<hbm>> -> memref<256x128xf32, #tpu.memory_space<hbm>>
    %dma_wait3A_88 = arith.constant 0 : i32
    %dma_wait3A_89 = tpu.memref_slice %arg3[%add3A_61, %dma_wait3A_88] : memref<262144x128xf32, #tpu.memory_space<hbm>> -> memref<256x128xf32, #tpu.memory_space<hbm>>
    tpu.wait_dma2 semaphore(%arg12 : memref<!tpu.dma_semaphore, #tpu.memory_space<semaphore_mem>>) src(%dma_wait3A_89 : memref<256x128xf32, #tpu.memory_space<hbm>>) dst(%arg7 : memref<256x128xf32, #tpu.memory_space<vmem>>)
    %add3A_90 = arith.constant 768 : i32
    %add3A_91 = arith.addi %mul3A_2, %add3A_90 : i32
    %dma_start3A_92 = arith.constant 0 : i32
    %dma_start3A_93 = tpu.memref_slice %arg5[%add3A_91, %dma_start3A_92] : memref<262144x128xf32, #tpu.memory_space<hbm>> -> memref<256x128xf32, #tpu.memory_space<hbm>>
    %dma_start3A_94 = arith.constant 0 : i32
    %dma_start3A_95 = tpu.memref_slice %arg5[%add3A_91, %dma_start3A_94] : memref<262144x128xf32, #tpu.memory_space<hbm>> -> memref<256x128xf32, #tpu.memory_space<hbm>>
    tpu.enqueue_dma source(%arg7 : memref<256x128xf32, #tpu.memory_space<vmem>>) target(%dma_start3A_95 : memref<256x128xf32, #tpu.memory_space<hbm>>) target_semaphore(%arg14 : memref<!tpu.dma_semaphore, #tpu.memory_space<semaphore_mem>>)
    %dma_wait3A_96 = arith.constant 0 : i32
    %dma_wait3A_97 = tpu.memref_slice %arg5[%add3A_91, %dma_wait3A_96] : memref<262144x128xf32, #tpu.memory_space<hbm>> -> memref<256x128xf32, #tpu.memory_space<hbm>>
    %dma_wait3A_98 = arith.constant 0 : i32
    %dma_wait3A_99 = tpu.memref_slice %arg5[%add3A_91, %dma_wait3A_98] : memref<262144x128xf32, #tpu.memory_space<hbm>> -> memref<256x128xf32, #tpu.memory_space<hbm>>
    tpu.wait_dma2 semaphore(%arg14 : memref<!tpu.dma_semaphore, #tpu.memory_space<semaphore_mem>>) src(%arg7 : memref<256x128xf32, #tpu.memory_space<vmem>>) dst(%dma_wait3A_99 : memref<256x128xf32, #tpu.memory_space<hbm>>)
    %add3A_100 = arith.constant 1280 : i32
    %add3A_101 = arith.addi %mul3A_2, %add3A_100 : i32
    %dma_start3A_102 = arith.constant 0 : i32
    %dma_start3A_103 = tpu.memref_slice %arg3[%add3A_101, %dma_start3A_102] : memref<262144x128xf32, #tpu.memory_space<hbm>> -> memref<256x128xf32, #tpu.memory_space<hbm>>
    %dma_start3A_104 = arith.constant 0 : i32
    %dma_start3A_105 = tpu.memref_slice %arg3[%add3A_101, %dma_start3A_104] : memref<262144x128xf32, #tpu.memory_space<hbm>> -> memref<256x128xf32, #tpu.memory_space<hbm>>
    tpu.enqueue_dma source(%dma_start3A_105 : memref<256x128xf32, #tpu.memory_space<hbm>>) target(%arg7 : memref<256x128xf32, #tpu.memory_space<vmem>>) target_semaphore(%arg12 : memref<!tpu.dma_semaphore, #tpu.memory_space<semaphore_mem>>)
    %dma_wait3A_106 = arith.constant 0 : i32
    %dma_wait3A_107 = tpu.memref_slice %arg3[%add3A_81, %dma_wait3A_106] : memref<262144x128xf32, #tpu.memory_space<hbm>> -> memref<256x128xf32, #tpu.memory_space<hbm>>
    %dma_wait3A_108 = arith.constant 0 : i32
    %dma_wait3A_109 = tpu.memref_slice %arg3[%add3A_81, %dma_wait3A_108] : memref<262144x128xf32, #tpu.memory_space<hbm>> -> memref<256x128xf32, #tpu.memory_space<hbm>>
    tpu.wait_dma2 semaphore(%arg11 : memref<!tpu.dma_semaphore, #tpu.memory_space<semaphore_mem>>) src(%dma_wait3A_109 : memref<256x128xf32, #tpu.memory_space<hbm>>) dst(%arg6 : memref<256x128xf32, #tpu.memory_space<vmem>>)
    %add3A_110 = arith.constant 1024 : i32
    %add3A_111 = arith.addi %mul3A_2, %add3A_110 : i32
    %dma_start3A_112 = arith.constant 0 : i32
    %dma_start3A_113 = tpu.memref_slice %arg5[%add3A_111, %dma_start3A_112] : memref<262144x128xf32, #tpu.memory_space<hbm>> -> memref<256x128xf32, #tpu.memory_space<hbm>>
    %dma_start3A_114 = arith.constant 0 : i32
    %dma_start3A_115 = tpu.memref_slice %arg5[%add3A_111, %dma_start3A_114] : memref<262144x128xf32, #tpu.memory_space<hbm>> -> memref<256x128xf32, #tpu.memory_space<hbm>>
    tpu.enqueue_dma source(%arg6 : memref<256x128xf32, #tpu.memory_space<vmem>>) target(%dma_start3A_115 : memref<256x128xf32, #tpu.memory_space<hbm>>) target_semaphore(%arg13 : memref<!tpu.dma_semaphore, #tpu.memory_space<semaphore_mem>>)
    %dma_wait3A_116 = arith.constant 0 : i32
    %dma_wait3A_117 = tpu.memref_slice %arg5[%add3A_111, %dma_wait3A_116] : memref<262144x128xf32, #tpu.memory_space<hbm>> -> memref<256x128xf32, #tpu.memory_space<hbm>>
    %dma_wait3A_118 = arith.constant 0 : i32
    %dma_wait3A_119 = tpu.memref_slice %arg5[%add3A_111, %dma_wait3A_118] : memref<262144x128xf32, #tpu.memory_space<hbm>> -> memref<256x128xf32, #tpu.memory_space<hbm>>
    tpu.wait_dma2 semaphore(%arg13 : memref<!tpu.dma_semaphore, #tpu.memory_space<semaphore_mem>>) src(%arg6 : memref<256x128xf32, #tpu.memory_space<vmem>>) dst(%dma_wait3A_119 : memref<256x128xf32, #tpu.memory_space<hbm>>)
    %add3A_120 = arith.constant 1536 : i32
    %add3A_121 = arith.addi %mul3A_2, %add3A_120 : i32
    %dma_start3A_122 = arith.constant 0 : i32
    %dma_start3A_123 = tpu.memref_slice %arg3[%add3A_121, %dma_start3A_122] : memref<262144x128xf32, #tpu.memory_space<hbm>> -> memref<256x128xf32, #tpu.memory_space<hbm>>
    %dma_start3A_124 = arith.constant 0 : i32
    %dma_start3A_125 = tpu.memref_slice %arg3[%add3A_121, %dma_start3A_124] : memref<262144x128xf32, #tpu.memory_space<hbm>> -> memref<256x128xf32, #tpu.memory_space<hbm>>
    tpu.enqueue_dma source(%dma_start3A_125 : memref<256x128xf32, #tpu.memory_space<hbm>>) target(%arg6 : memref<256x128xf32, #tpu.memory_space<vmem>>) target_semaphore(%arg11 : memref<!tpu.dma_semaphore, #tpu.memory_space<semaphore_mem>>)
    %dma_wait3A_126 = arith.constant 0 : i32
    %dma_wait3A_127 = tpu.memref_slice %arg3[%add3A_101, %dma_wait3A_126] : memref<262144x128xf32, #tpu.memory_space<hbm>> -> memref<256x128xf32, #tpu.memory_space<hbm>>
    %dma_wait3A_128 = arith.constant 0 : i32
    %dma_wait3A_129 = tpu.memref_slice %arg3[%add3A_101, %dma_wait3A_128] : memref<262144x128xf32, #tpu.memory_space<hbm>> -> memref<256x128xf32, #tpu.memory_space<hbm>>
    tpu.wait_dma2 semaphore(%arg12 : memref<!tpu.dma_semaphore, #tpu.memory_space<semaphore_mem>>) src(%dma_wait3A_129 : memref<256x128xf32, #tpu.memory_space<hbm>>) dst(%arg7 : memref<256x128xf32, #tpu.memory_space<vmem>>)
    %add3A_130 = arith.constant 1280 : i32
    %add3A_131 = arith.addi %mul3A_2, %add3A_130 : i32
    %dma_start3A_132 = arith.constant 0 : i32
    %dma_start3A_133 = tpu.memref_slice %arg5[%add3A_131, %dma_start3A_132] : memref<262144x128xf32, #tpu.memory_space<hbm>> -> memref<256x128xf32, #tpu.memory_space<hbm>>
    %dma_start3A_134 = arith.constant 0 : i32
    %dma_start3A_135 = tpu.memref_slice %arg5[%add3A_131, %dma_start3A_134] : memref<262144x128xf32, #tpu.memory_space<hbm>> -> memref<256x128xf32, #tpu.memory_space<hbm>>
    tpu.enqueue_dma source(%arg7 : memref<256x128xf32, #tpu.memory_space<vmem>>) target(%dma_start3A_135 : memref<256x128xf32, #tpu.memory_space<hbm>>) target_semaphore(%arg14 : memref<!tpu.dma_semaphore, #tpu.memory_space<semaphore_mem>>)
    %dma_wait3A_136 = arith.constant 0 : i32
    %dma_wait3A_137 = tpu.memref_slice %arg5[%add3A_131, %dma_wait3A_136] : memref<262144x128xf32, #tpu.memory_space<hbm>> -> memref<256x128xf32, #tpu.memory_space<hbm>>
    %dma_wait3A_138 = arith.constant 0 : i32
    %dma_wait3A_139 = tpu.memref_slice %arg5[%add3A_131, %dma_wait3A_138] : memref<262144x128xf32, #tpu.memory_space<hbm>> -> memref<256x128xf32, #tpu.memory_space<hbm>>
    tpu.wait_dma2 semaphore(%arg14 : memref<!tpu.dma_semaphore, #tpu.memory_space<semaphore_mem>>) src(%arg7 : memref<256x128xf32, #tpu.memory_space<vmem>>) dst(%dma_wait3A_139 : memref<256x128xf32, #tpu.memory_space<hbm>>)
    %add3A_140 = arith.constant 1792 : i32
    %add3A_141 = arith.addi %mul3A_2, %add3A_140 : i32
    %dma_start3A_142 = arith.constant 0 : i32
    %dma_start3A_143 = tpu.memref_slice %arg3[%add3A_141, %dma_start3A_142] : memref<262144x128xf32, #tpu.memory_space<hbm>> -> memref<256x128xf32, #tpu.memory_space<hbm>>
    %dma_start3A_144 = arith.constant 0 : i32
    %dma_start3A_145 = tpu.memref_slice %arg3[%add3A_141, %dma_start3A_144] : memref<262144x128xf32, #tpu.memory_space<hbm>> -> memref<256x128xf32, #tpu.memory_space<hbm>>
    tpu.enqueue_dma source(%dma_start3A_145 : memref<256x128xf32, #tpu.memory_space<hbm>>) target(%arg7 : memref<256x128xf32, #tpu.memory_space<vmem>>) target_semaphore(%arg12 : memref<!tpu.dma_semaphore, #tpu.memory_space<semaphore_mem>>)
    %dma_wait3A_146 = arith.constant 0 : i32
    %dma_wait3A_147 = tpu.memref_slice %arg3[%add3A_121, %dma_wait3A_146] : memref<262144x128xf32, #tpu.memory_space<hbm>> -> memref<256x128xf32, #tpu.memory_space<hbm>>
    %dma_wait3A_148 = arith.constant 0 : i32
    %dma_wait3A_149 = tpu.memref_slice %arg3[%add3A_121, %dma_wait3A_148] : memref<262144x128xf32, #tpu.memory_space<hbm>> -> memref<256x128xf32, #tpu.memory_space<hbm>>
    tpu.wait_dma2 semaphore(%arg11 : memref<!tpu.dma_semaphore, #tpu.memory_space<semaphore_mem>>) src(%dma_wait3A_149 : memref<256x128xf32, #tpu.memory_space<hbm>>) dst(%arg6 : memref<256x128xf32, #tpu.memory_space<vmem>>)
    %add3A_150 = arith.constant 1536 : i32
    %add3A_151 = arith.addi %mul3A_2, %add3A_150 : i32
    %dma_start3A_152 = arith.constant 0 : i32
    %dma_start3A_153 = tpu.memref_slice %arg5[%add3A_151, %dma_start3A_152] : memref<262144x128xf32, #tpu.memory_space<hbm>> -> memref<256x128xf32, #tpu.memory_space<hbm>>
    %dma_start3A_154 = arith.constant 0 : i32
    %dma_start3A_155 = tpu.memref_slice %arg5[%add3A_151, %dma_start3A_154] : memref<262144x128xf32, #tpu.memory_space<hbm>> -> memref<256x128xf32, #tpu.memory_space<hbm>>
    tpu.enqueue_dma source(%arg6 : memref<256x128xf32, #tpu.memory_space<vmem>>) target(%dma_start3A_155 : memref<256x128xf32, #tpu.memory_space<hbm>>) target_semaphore(%arg13 : memref<!tpu.dma_semaphore, #tpu.memory_space<semaphore_mem>>)
    %dma_wait3A_156 = arith.constant 0 : i32
    %dma_wait3A_157 = tpu.memref_slice %arg3[%add3A_141, %dma_wait3A_156] : memref<262144x128xf32, #tpu.memory_space<hbm>> -> memref<256x128xf32, #tpu.memory_space<hbm>>
    %dma_wait3A_158 = arith.constant 0 : i32
    %dma_wait3A_159 = tpu.memref_slice %arg3[%add3A_141, %dma_wait3A_158] : memref<262144x128xf32, #tpu.memory_space<hbm>> -> memref<256x128xf32, #tpu.memory_space<hbm>>
    tpu.wait_dma2 semaphore(%arg12 : memref<!tpu.dma_semaphore, #tpu.memory_space<semaphore_mem>>) src(%dma_wait3A_159 : memref<256x128xf32, #tpu.memory_space<hbm>>) dst(%arg7 : memref<256x128xf32, #tpu.memory_space<vmem>>)
    %add3A_160 = arith.constant 1792 : i32
    %add3A_161 = arith.addi %mul3A_2, %add3A_160 : i32
    %dma_start3A_162 = arith.constant 0 : i32
    %dma_start3A_163 = tpu.memref_slice %arg5[%add3A_161, %dma_start3A_162] : memref<262144x128xf32, #tpu.memory_space<hbm>> -> memref<256x128xf32, #tpu.memory_space<hbm>>
    %dma_start3A_164 = arith.constant 0 : i32
    %dma_start3A_165 = tpu.memref_slice %arg5[%add3A_161, %dma_start3A_164] : memref<262144x128xf32, #tpu.memory_space<hbm>> -> memref<256x128xf32, #tpu.memory_space<hbm>>
    tpu.enqueue_dma source(%arg7 : memref<256x128xf32, #tpu.memory_space<vmem>>) target(%dma_start3A_165 : memref<256x128xf32, #tpu.memory_space<hbm>>) target_semaphore(%arg14 : memref<!tpu.dma_semaphore, #tpu.memory_space<semaphore_mem>>)
    %dma_wait3A_166 = arith.constant 0 : i32
    %dma_wait3A_167 = tpu.memref_slice %arg5[%add3A_151, %dma_wait3A_166] : memref<262144x128xf32, #tpu.memory_space<hbm>> -> memref<256x128xf32, #tpu.memory_space<hbm>>
    %dma_wait3A_168 = arith.constant 0 : i32
    %dma_wait3A_169 = tpu.memref_slice %arg5[%add3A_151, %dma_wait3A_168] : memref<262144x128xf32, #tpu.memory_space<hbm>> -> memref<256x128xf32, #tpu.memory_space<hbm>>
    tpu.wait_dma2 semaphore(%arg13 : memref<!tpu.dma_semaphore, #tpu.memory_space<semaphore_mem>>) src(%arg6 : memref<256x128xf32, #tpu.memory_space<vmem>>) dst(%dma_wait3A_169 : memref<256x128xf32, #tpu.memory_space<hbm>>)
    %dma_wait3A_170 = arith.constant 0 : i32
    %dma_wait3A_171 = tpu.memref_slice %arg5[%add3A_161, %dma_wait3A_170] : memref<262144x128xf32, #tpu.memory_space<hbm>> -> memref<256x128xf32, #tpu.memory_space<hbm>>
    %dma_wait3A_172 = arith.constant 0 : i32
    %dma_wait3A_173 = tpu.memref_slice %arg5[%add3A_161, %dma_wait3A_172] : memref<262144x128xf32, #tpu.memory_space<hbm>> -> memref<256x128xf32, #tpu.memory_space<hbm>>
    tpu.wait_dma2 semaphore(%arg14 : memref<!tpu.dma_semaphore, #tpu.memory_space<semaphore_mem>>) src(%arg7 : memref<256x128xf32, #tpu.memory_space<vmem>>) dst(%dma_wait3A_173 : memref<256x128xf32, #tpu.memory_space<hbm>>)
    %dma_wait3A_174 = arith.constant 0 : i32
    %dma_wait3A_175 = tpu.memref_slice %arg4[%mul3A_4, %dma_wait3A_174] : memref<2048x128xf32, #tpu.memory_space<hbm>> -> memref<16x128xf32, #tpu.memory_space<hbm>>
    %dma_wait3A_176 = arith.constant 0 : i32
    %dma_wait3A_177 = tpu.memref_slice %arg4[%mul3A_4, %dma_wait3A_176] : memref<2048x128xf32, #tpu.memory_space<hbm>> -> memref<16x128xf32, #tpu.memory_space<hbm>>
    tpu.wait_dma2 semaphore(%arg15 : memref<!tpu.dma_semaphore, #tpu.memory_space<semaphore_mem>>) src(%dma_wait3A_177 : memref<16x128xf32, #tpu.memory_space<hbm>>) dst(%arg8 : memref<16x128xf32, #tpu.memory_space<vmem>>)
    "tpu.region"() ({
      %run_scoped3A = tpu.sem_alloc : memref<!tpu.dma_semaphore, #tpu.memory_space<semaphore_mem>>
      %dma_start3A_178 = arith.constant 0 : i32
      %dma_start3A_179 = arith.constant 0 : i32
      %dma_start3A_180 = tpu.memref_slice %arg5[%dma_start3A_178, %dma_start3A_179] : memref<262144x128xf32, #tpu.memory_space<hbm>> -> memref<262144x128xf32, #tpu.memory_space<hbm>>
      tpu.enqueue_indirect_dma source(%arg8 : memref<16x128xf32, #tpu.memory_space<vmem>>) target(%dma_start3A_180 : memref<262144x128xf32, #tpu.memory_space<hbm>>) offsets(%arg10 : memref<16xi32, #tpu.memory_space<vmem>>) semaphore(%run_scoped3A : memref<!tpu.dma_semaphore, #tpu.memory_space<semaphore_mem>>)
      %dma_wait3A_181 = arith.constant 0 : i32
      %dma_wait3A_182 = arith.constant 0 : i32
      %dma_wait3A_183 = tpu.memref_slice %arg5[%dma_wait3A_181, %dma_wait3A_182] : memref<262144x128xf32, #tpu.memory_space<hbm>> -> memref<262144x128xf32, #tpu.memory_space<hbm>>
      tpu.wait_indirect_dma semaphore(%run_scoped3A : memref<!tpu.dma_semaphore, #tpu.memory_space<semaphore_mem>>) src(%arg8 : memref<16x128xf32, #tpu.memory_space<vmem>>) dst(%dma_wait3A_183 : memref<262144x128xf32, #tpu.memory_space<hbm>>)
      tpu.yield
    }) : () -> ()
    return
  }
}

module attributes {stable_mosaic.version = 14 : i64} {
  func.func @_tc_body(%arg0: i32, %arg1: i32, %arg2: memref<16xi32, #tpu.memory_space<smem>>, %arg3: memref<1x8x2048x128xf32, #tpu.memory_space<vmem>>, %arg4: memref<1x8x16x128xf32, #tpu.memory_space<vmem>>, %arg5: memref<1x8x2048x128xf32, #tpu.memory_space<vmem>>) attributes {dimension_semantics = [#tpu.dimension_semantics<arbitrary>, #tpu.dimension_semantics<arbitrary>], iteration_bounds = array<i64: 8, 2>, scalar_prefetch = 1 : i64, scratch_operands = 0 : i64, tpu.core_type = #tpu.core_type<tc>, window_params = [{transform_indices = @transform_0, window_bounds = array<i64: 1, 8, 2048, 128>}, {transform_indices = @transform_1, window_bounds = array<i64: 1, 8, 16, 128>}, {transform_indices = @transform_2, window_bounds = array<i64: 1, 8, 2048, 128>}]} {
    %get3A = arith.constant 0 : index
    %get3A_0 = arith.constant 0 : index
    %get3A_1 = arith.constant 0 : index
    %get3A_2 = arith.constant 0 : index
    %get3A_3 = vector.load %arg3[%get3A, %get3A_0, %get3A_1, %get3A_2] : memref<1x8x2048x128xf32, #tpu.memory_space<vmem>>, vector<1x8x2048x128xf32>
    %swap3A = arith.constant 0 : index
    %swap3A_4 = arith.constant 0 : index
    %swap3A_5 = arith.constant 0 : index
    %swap3A_6 = arith.constant 0 : index
    %swap3A_7 = vector.load %arg5[%swap3A, %swap3A_4, %swap3A_5, %swap3A_6] : memref<1x8x2048x128xf32, #tpu.memory_space<vmem>>, vector<1x8x2048x128xf32>
    tpu.vector_store %arg5[%swap3A, %swap3A_4, %swap3A_5, %swap3A_6], %get3A_3 {strides = array<i32>} : memref<1x8x2048x128xf32, #tpu.memory_space<vmem>>, vector<1x8x2048x128xf32>,
    %get3A_8 = arith.constant 0 : index
    %get3A_9 = memref.load %arg2[%get3A_8] : memref<16xi32, #tpu.memory_space<smem>>
    %get3A_10 = arith.constant 0 : index
    %get3A_11 = arith.constant 0 : index
    %get3A_12 = arith.constant 0 : index
    %get3A_13 = arith.constant 0 : index
    %get3A_14 = vector.load %arg4[%get3A_10, %get3A_11, %get3A_12, %get3A_13] : memref<1x8x16x128xf32, #tpu.memory_space<vmem>>, vector<1x1x16x128xf32>
    %get3A_15 = vector.shape_cast %get3A_14 : vector<1x1x16x128xf32> to vector<16x128xf32>
    %swap3A_16 = arith.constant 0 : index
    %swap3A_17 = arith.constant 0 : index
    %swap3A_18 = arith.index_cast %get3A_9 : i32 to index
    %swap3A_19 = arith.constant 0 : index
    %swap3A_20 = vector.load %arg5[%swap3A_16, %swap3A_17, %swap3A_18, %swap3A_19] : memref<1x8x2048x128xf32, #tpu.memory_space<vmem>>, vector<1x1x16x128xf32>
    %swap3A_21 = vector.shape_cast %swap3A_20 : vector<1x1x16x128xf32> to vector<16x128xf32>
    %swap3A_22 = vector.shape_cast %get3A_15 : vector<16x128xf32> to vector<1x1x16x128xf32>
    tpu.vector_store %arg5[%swap3A_16, %swap3A_17, %swap3A_18, %swap3A_19], %swap3A_22 {strides = array<i32>} : memref<1x8x2048x128xf32, #tpu.memory_space<vmem>>, vector<1x1x16x128xf32>,
    %get3A_23 = arith.constant 0 : index
    %get3A_24 = arith.constant 1 : index
    %get3A_25 = arith.constant 0 : index
    %get3A_26 = arith.constant 0 : index
    %get3A_27 = vector.load %arg4[%get3A_23, %get3A_24, %get3A_25, %get3A_26] : memref<1x8x16x128xf32, #tpu.memory_space<vmem>>, vector<1x1x16x128xf32>
    %get3A_28 = vector.shape_cast %get3A_27 : vector<1x1x16x128xf32> to vector<16x128xf32>
    %swap3A_29 = arith.constant 0 : index
    %swap3A_30 = arith.constant 1 : index
    %swap3A_31 = arith.index_cast %get3A_9 : i32 to index
    %swap3A_32 = arith.constant 0 : index
    %swap3A_33 = vector.load %arg5[%swap3A_29, %swap3A_30, %swap3A_31, %swap3A_32] : memref<1x8x2048x128xf32, #tpu.memory_space<vmem>>, vector<1x1x16x128xf32>
    %swap3A_34 = vector.shape_cast %swap3A_33 : vector<1x1x16x128xf32> to vector<16x128xf32>
    %swap3A_35 = vector.shape_cast %get3A_28 : vector<16x128xf32> to vector<1x1x16x128xf32>
    tpu.vector_store %arg5[%swap3A_29, %swap3A_30, %swap3A_31, %swap3A_32], %swap3A_35 {strides = array<i32>} : memref<1x8x2048x128xf32, #tpu.memory_space<vmem>>, vector<1x1x16x128xf32>,
    %get3A_36 = arith.constant 0 : index
    %get3A_37 = arith.constant 2 : index
    %get3A_38 = arith.constant 0 : index
    %get3A_39 = arith.constant 0 : index
    %get3A_40 = vector.load %arg4[%get3A_36, %get3A_37, %get3A_38, %get3A_39] : memref<1x8x16x128xf32, #tpu.memory_space<vmem>>, vector<1x1x16x128xf32>
    %get3A_41 = vector.shape_cast %get3A_40 : vector<1x1x16x128xf32> to vector<16x128xf32>
    %swap3A_42 = arith.constant 0 : index
    %swap3A_43 = arith.constant 2 : index
    %swap3A_44 = arith.index_cast %get3A_9 : i32 to index
    %swap3A_45 = arith.constant 0 : index
    %swap3A_46 = vector.load %arg5[%swap3A_42, %swap3A_43, %swap3A_44, %swap3A_45] : memref<1x8x2048x128xf32, #tpu.memory_space<vmem>>, vector<1x1x16x128xf32>
    %swap3A_47 = vector.shape_cast %swap3A_46 : vector<1x1x16x128xf32> to vector<16x128xf32>
    %swap3A_48 = vector.shape_cast %get3A_41 : vector<16x128xf32> to vector<1x1x16x128xf32>
    tpu.vector_store %arg5[%swap3A_42, %swap3A_43, %swap3A_44, %swap3A_45], %swap3A_48 {strides = array<i32>} : memref<1x8x2048x128xf32, #tpu.memory_space<vmem>>, vector<1x1x16x128xf32>,
    %get3A_49 = arith.constant 0 : index
    %get3A_50 = arith.constant 3 : index
    %get3A_51 = arith.constant 0 : index
    %get3A_52 = arith.constant 0 : index
    %get3A_53 = vector.load %arg4[%get3A_49, %get3A_50, %get3A_51, %get3A_52] : memref<1x8x16x128xf32, #tpu.memory_space<vmem>>, vector<1x1x16x128xf32>
    %get3A_54 = vector.shape_cast %get3A_53 : vector<1x1x16x128xf32> to vector<16x128xf32>
    %swap3A_55 = arith.constant 0 : index
    %swap3A_56 = arith.constant 3 : index
    %swap3A_57 = arith.index_cast %get3A_9 : i32 to index
    %swap3A_58 = arith.constant 0 : index
    %swap3A_59 = vector.load %arg5[%swap3A_55, %swap3A_56, %swap3A_57, %swap3A_58] : memref<1x8x2048x128xf32, #tpu.memory_space<vmem>>, vector<1x1x16x128xf32>
    %swap3A_60 = vector.shape_cast %swap3A_59 : vector<1x1x16x128xf32> to vector<16x128xf32>
    %swap3A_61 = vector.shape_cast %get3A_54 : vector<16x128xf32> to vector<1x1x16x128xf32>
    tpu.vector_store %arg5[%swap3A_55, %swap3A_56, %swap3A_57, %swap3A_58], %swap3A_61 {strides = array<i32>} : memref<1x8x2048x128xf32, #tpu.memory_space<vmem>>, vector<1x1x16x128xf32>,
    %get3A_62 = arith.constant 0 : index
    %get3A_63 = arith.constant 4 : index
    %get3A_64 = arith.constant 0 : index
    %get3A_65 = arith.constant 0 : index
    %get3A_66 = vector.load %arg4[%get3A_62, %get3A_63, %get3A_64, %get3A_65] : memref<1x8x16x128xf32, #tpu.memory_space<vmem>>, vector<1x1x16x128xf32>
    %get3A_67 = vector.shape_cast %get3A_66 : vector<1x1x16x128xf32> to vector<16x128xf32>
    %swap3A_68 = arith.constant 0 : index
    %swap3A_69 = arith.constant 4 : index
    %swap3A_70 = arith.index_cast %get3A_9 : i32 to index
    %swap3A_71 = arith.constant 0 : index
    %swap3A_72 = vector.load %arg5[%swap3A_68, %swap3A_69, %swap3A_70, %swap3A_71] : memref<1x8x2048x128xf32, #tpu.memory_space<vmem>>, vector<1x1x16x128xf32>
    %swap3A_73 = vector.shape_cast %swap3A_72 : vector<1x1x16x128xf32> to vector<16x128xf32>
    %swap3A_74 = vector.shape_cast %get3A_67 : vector<16x128xf32> to vector<1x1x16x128xf32>
    tpu.vector_store %arg5[%swap3A_68, %swap3A_69, %swap3A_70, %swap3A_71], %swap3A_74 {strides = array<i32>} : memref<1x8x2048x128xf32, #tpu.memory_space<vmem>>, vector<1x1x16x128xf32>,
    %get3A_75 = arith.constant 0 : index
    %get3A_76 = arith.constant 5 : index
    %get3A_77 = arith.constant 0 : index
    %get3A_78 = arith.constant 0 : index
    %get3A_79 = vector.load %arg4[%get3A_75, %get3A_76, %get3A_77, %get3A_78] : memref<1x8x16x128xf32, #tpu.memory_space<vmem>>, vector<1x1x16x128xf32>
    %get3A_80 = vector.shape_cast %get3A_79 : vector<1x1x16x128xf32> to vector<16x128xf32>
    %swap3A_81 = arith.constant 0 : index
    %swap3A_82 = arith.constant 5 : index
    %swap3A_83 = arith.index_cast %get3A_9 : i32 to index
    %swap3A_84 = arith.constant 0 : index
    %swap3A_85 = vector.load %arg5[%swap3A_81, %swap3A_82, %swap3A_83, %swap3A_84] : memref<1x8x2048x128xf32, #tpu.memory_space<vmem>>, vector<1x1x16x128xf32>
    %swap3A_86 = vector.shape_cast %swap3A_85 : vector<1x1x16x128xf32> to vector<16x128xf32>
    %swap3A_87 = vector.shape_cast %get3A_80 : vector<16x128xf32> to vector<1x1x16x128xf32>
    tpu.vector_store %arg5[%swap3A_81, %swap3A_82, %swap3A_83, %swap3A_84], %swap3A_87 {strides = array<i32>} : memref<1x8x2048x128xf32, #tpu.memory_space<vmem>>, vector<1x1x16x128xf32>,
    %get3A_88 = arith.constant 0 : index
    %get3A_89 = arith.constant 6 : index
    %get3A_90 = arith.constant 0 : index
    %get3A_91 = arith.constant 0 : index
    %get3A_92 = vector.load %arg4[%get3A_88, %get3A_89, %get3A_90, %get3A_91] : memref<1x8x16x128xf32, #tpu.memory_space<vmem>>, vector<1x1x16x128xf32>
    %get3A_93 = vector.shape_cast %get3A_92 : vector<1x1x16x128xf32> to vector<16x128xf32>
    %swap3A_94 = arith.constant 0 : index
    %swap3A_95 = arith.constant 6 : index
    %swap3A_96 = arith.index_cast %get3A_9 : i32 to index
    %swap3A_97 = arith.constant 0 : index
    %swap3A_98 = vector.load %arg5[%swap3A_94, %swap3A_95, %swap3A_96, %swap3A_97] : memref<1x8x2048x128xf32, #tpu.memory_space<vmem>>, vector<1x1x16x128xf32>
    %swap3A_99 = vector.shape_cast %swap3A_98 : vector<1x1x16x128xf32> to vector<16x128xf32>
    %swap3A_100 = vector.shape_cast %get3A_93 : vector<16x128xf32> to vector<1x1x16x128xf32>
    tpu.vector_store %arg5[%swap3A_94, %swap3A_95, %swap3A_96, %swap3A_97], %swap3A_100 {strides = array<i32>} : memref<1x8x2048x128xf32, #tpu.memory_space<vmem>>, vector<1x1x16x128xf32>,
    %get3A_101 = arith.constant 0 : index
    %get3A_102 = arith.constant 7 : index
    %get3A_103 = arith.constant 0 : index
    %get3A_104 = arith.constant 0 : index
    %get3A_105 = vector.load %arg4[%get3A_101, %get3A_102, %get3A_103, %get3A_104] : memref<1x8x16x128xf32, #tpu.memory_space<vmem>>, vector<1x1x16x128xf32>
    %get3A_106 = vector.shape_cast %get3A_105 : vector<1x1x16x128xf32> to vector<16x128xf32>
    %swap3A_107 = arith.constant 0 : index
    %swap3A_108 = arith.constant 7 : index
    %swap3A_109 = arith.index_cast %get3A_9 : i32 to index
    %swap3A_110 = arith.constant 0 : index
    %swap3A_111 = vector.load %arg5[%swap3A_107, %swap3A_108, %swap3A_109, %swap3A_110] : memref<1x8x2048x128xf32, #tpu.memory_space<vmem>>, vector<1x1x16x128xf32>
    %swap3A_112 = vector.shape_cast %swap3A_111 : vector<1x1x16x128xf32> to vector<16x128xf32>
    %swap3A_113 = vector.shape_cast %get3A_106 : vector<16x128xf32> to vector<1x1x16x128xf32>
    tpu.vector_store %arg5[%swap3A_107, %swap3A_108, %swap3A_109, %swap3A_110], %swap3A_113 {strides = array<i32>} : memref<1x8x2048x128xf32, #tpu.memory_space<vmem>>, vector<1x1x16x128xf32>,
    return
  }
  func.func @transform_0(%arg0: i32, %arg1: i32, %arg2: memref<16xi32, #tpu.memory_space<smem>>) -> (i32, i32, i32, i32) {
    %c0_i32 = arith.constant 0 : i32
    %c0_i32_0 = arith.constant 0 : i32
    %c0_i32_1 = arith.constant 0 : i32
    return %arg0, %arg1, %c0_i32, %c0_i32_0 : i32, i32, i32, i32
  }
  func.func @transform_1(%arg0: i32, %arg1: i32, %arg2: memref<16xi32, #tpu.memory_space<smem>>) -> (i32, i32, i32, i32) {
    %c0_i32 = arith.constant 0 : i32
    %c0_i32_0 = arith.constant 0 : i32
    %c0_i32_1 = arith.constant 0 : i32
    return %arg0, %arg1, %c0_i32, %c0_i32_0 : i32, i32, i32, i32
  }
  func.func @transform_2(%arg0: i32, %arg1: i32, %arg2: memref<16xi32, #tpu.memory_space<smem>>) -> (i32, i32, i32, i32) {
    %c0_i32 = arith.constant 0 : i32
    %c0_i32_0 = arith.constant 0 : i32
    %c0_i32_1 = arith.constant 0 : i32
    return %arg0, %arg1, %c0_i32, %c0_i32_0 : i32, i32, i32, i32
  }
}

module attributes {stable_mosaic.version = 14 : i64} {
  func.func @body(%arg0: i32, %arg1: i32, %arg2: memref<16xi32, #tpu.memory_space<smem>>, %arg3: memref<262144x128xf32, #tpu.memory_space<hbm>>, %arg4: memref<16384x128xf32, #tpu.memory_space<vmem>>, %arg5: memref<128x128xf32, #tpu.memory_space<vmem>>, %arg6: memref<16384x128xf32, #tpu.memory_space<vmem>>) attributes {dimension_semantics = [#tpu.dimension_semantics<arbitrary>, #tpu.dimension_semantics<arbitrary>], iteration_bounds = array<i64: 6, 2>, scalar_prefetch = 1 : i64, scratch_operands = 0 : i64, tpu.core_type = #tpu.core_type<tc>, window_params = [{}, {transform_indices = @transform_1, window_bounds = array<i64: 16384, 128>}, {transform_indices = @transform_2, window_bounds = array<i64: 128, 128>}, {transform_indices = @transform_3, window_bounds = array<i64: 16384, 128>}]} {
    %get3A = arith.constant 0 : index
    %get3A_0 = arith.constant 0 : index
    %get3A_1 = vector.load %arg4[%get3A, %get3A_0] : memref<16384x128xf32, #tpu.memory_space<vmem>>, vector<16384x128xf32>
    %swap3A = arith.constant 0 : index
    %swap3A_2 = arith.constant 0 : index
    %swap3A_3 = vector.load %arg6[%swap3A, %swap3A_2] : memref<16384x128xf32, #tpu.memory_space<vmem>>, vector<16384x128xf32>
    tpu.vector_store %arg6[%swap3A, %swap3A_2], %get3A_1 {strides = array<i32>} : memref<16384x128xf32, #tpu.memory_space<vmem>>, vector<16384x128xf32>,
    %get3A_4 = arith.constant 0 : index
    %get3A_5 = memref.load %arg2[%get3A_4] : memref<16xi32, #tpu.memory_space<smem>>
    %get3A_6 = arith.constant 0 : index
    %get3A_7 = arith.constant 0 : index
    %get3A_8 = vector.load %arg5[%get3A_6, %get3A_7] : memref<128x128xf32, #tpu.memory_space<vmem>>, vector<16x128xf32>
    %add3A = arith.constant 0 : i32
    %add3A_9 = arith.addi %add3A, %get3A_5 : i32
    %swap3A_10 = arith.index_cast %add3A_9 : i32 to index
    %swap3A_11 = arith.constant 0 : index
    %swap3A_12 = vector.load %arg6[%swap3A_10, %swap3A_11] : memref<16384x128xf32, #tpu.memory_space<vmem>>, vector<16x128xf32>
    tpu.vector_store %arg6[%swap3A_10, %swap3A_11], %get3A_8 {strides = array<i32>} : memref<16384x128xf32, #tpu.memory_space<vmem>>, vector<16x128xf32>,
    %get3A_13 = arith.constant 16 : index
    %get3A_14 = arith.constant 0 : index
    %get3A_15 = vector.load %arg5[%get3A_13, %get3A_14] : memref<128x128xf32, #tpu.memory_space<vmem>>, vector<16x128xf32>
    %add3A_16 = arith.constant 2048 : i32
    %add3A_17 = arith.addi %add3A_16, %get3A_5 : i32
    %swap3A_18 = arith.index_cast %add3A_17 : i32 to index
    %swap3A_19 = arith.constant 0 : index
    %swap3A_20 = vector.load %arg6[%swap3A_18, %swap3A_19] : memref<16384x128xf32, #tpu.memory_space<vmem>>, vector<16x128xf32>
    tpu.vector_store %arg6[%swap3A_18, %swap3A_19], %get3A_15 {strides = array<i32>} : memref<16384x128xf32, #tpu.memory_space<vmem>>, vector<16x128xf32>,
    %get3A_21 = arith.constant 32 : index
    %get3A_22 = arith.constant 0 : index
    %get3A_23 = vector.load %arg5[%get3A_21, %get3A_22] : memref<128x128xf32, #tpu.memory_space<vmem>>, vector<16x128xf32>
    %add3A_24 = arith.constant 4096 : i32
    %add3A_25 = arith.addi %add3A_24, %get3A_5 : i32
    %swap3A_26 = arith.index_cast %add3A_25 : i32 to index
    %swap3A_27 = arith.constant 0 : index
    %swap3A_28 = vector.load %arg6[%swap3A_26, %swap3A_27] : memref<16384x128xf32, #tpu.memory_space<vmem>>, vector<16x128xf32>
    tpu.vector_store %arg6[%swap3A_26, %swap3A_27], %get3A_23 {strides = array<i32>} : memref<16384x128xf32, #tpu.memory_space<vmem>>, vector<16x128xf32>,
    %get3A_29 = arith.constant 48 : index
    %get3A_30 = arith.constant 0 : index
    %get3A_31 = vector.load %arg5[%get3A_29, %get3A_30] : memref<128x128xf32, #tpu.memory_space<vmem>>, vector<16x128xf32>
    %add3A_32 = arith.constant 6144 : i32
    %add3A_33 = arith.addi %add3A_32, %get3A_5 : i32
    %swap3A_34 = arith.index_cast %add3A_33 : i32 to index
    %swap3A_35 = arith.constant 0 : index
    %swap3A_36 = vector.load %arg6[%swap3A_34, %swap3A_35] : memref<16384x128xf32, #tpu.memory_space<vmem>>, vector<16x128xf32>
    tpu.vector_store %arg6[%swap3A_34, %swap3A_35], %get3A_31 {strides = array<i32>} : memref<16384x128xf32, #tpu.memory_space<vmem>>, vector<16x128xf32>,
    %get3A_37 = arith.constant 64 : index
    %get3A_38 = arith.constant 0 : index
    %get3A_39 = vector.load %arg5[%get3A_37, %get3A_38] : memref<128x128xf32, #tpu.memory_space<vmem>>, vector<16x128xf32>
    %add3A_40 = arith.constant 8192 : i32
    %add3A_41 = arith.addi %add3A_40, %get3A_5 : i32
    %swap3A_42 = arith.index_cast %add3A_41 : i32 to index
    %swap3A_43 = arith.constant 0 : index
    %swap3A_44 = vector.load %arg6[%swap3A_42, %swap3A_43] : memref<16384x128xf32, #tpu.memory_space<vmem>>, vector<16x128xf32>
    tpu.vector_store %arg6[%swap3A_42, %swap3A_43], %get3A_39 {strides = array<i32>} : memref<16384x128xf32, #tpu.memory_space<vmem>>, vector<16x128xf32>,
    %get3A_45 = arith.constant 80 : index
    %get3A_46 = arith.constant 0 : index
    %get3A_47 = vector.load %arg5[%get3A_45, %get3A_46] : memref<128x128xf32, #tpu.memory_space<vmem>>, vector<16x128xf32>
    %add3A_48 = arith.constant 10240 : i32
    %add3A_49 = arith.addi %add3A_48, %get3A_5 : i32
    %swap3A_50 = arith.index_cast %add3A_49 : i32 to index
    %swap3A_51 = arith.constant 0 : index
    %swap3A_52 = vector.load %arg6[%swap3A_50, %swap3A_51] : memref<16384x128xf32, #tpu.memory_space<vmem>>, vector<16x128xf32>
    tpu.vector_store %arg6[%swap3A_50, %swap3A_51], %get3A_47 {strides = array<i32>} : memref<16384x128xf32, #tpu.memory_space<vmem>>, vector<16x128xf32>,
    %get3A_53 = arith.constant 96 : index
    %get3A_54 = arith.constant 0 : index
    %get3A_55 = vector.load %arg5[%get3A_53, %get3A_54] : memref<128x128xf32, #tpu.memory_space<vmem>>, vector<16x128xf32>
    %add3A_56 = arith.constant 12288 : i32
    %add3A_57 = arith.addi %add3A_56, %get3A_5 : i32
    %swap3A_58 = arith.index_cast %add3A_57 : i32 to index
    %swap3A_59 = arith.constant 0 : index
    %swap3A_60 = vector.load %arg6[%swap3A_58, %swap3A_59] : memref<16384x128xf32, #tpu.memory_space<vmem>>, vector<16x128xf32>
    tpu.vector_store %arg6[%swap3A_58, %swap3A_59], %get3A_55 {strides = array<i32>} : memref<16384x128xf32, #tpu.memory_space<vmem>>, vector<16x128xf32>,
    %get3A_61 = arith.constant 112 : index
    %get3A_62 = arith.constant 0 : index
    %get3A_63 = vector.load %arg5[%get3A_61, %get3A_62] : memref<128x128xf32, #tpu.memory_space<vmem>>, vector<16x128xf32>
    %add3A_64 = arith.constant 14336 : i32
    %add3A_65 = arith.addi %add3A_64, %get3A_5 : i32
    %swap3A_66 = arith.index_cast %add3A_65 : i32 to index
    %swap3A_67 = arith.constant 0 : index
    %swap3A_68 = vector.load %arg6[%swap3A_66, %swap3A_67] : memref<16384x128xf32, #tpu.memory_space<vmem>>, vector<16x128xf32>
    tpu.vector_store %arg6[%swap3A_66, %swap3A_67], %get3A_63 {strides = array<i32>} : memref<16384x128xf32, #tpu.memory_space<vmem>>, vector<16x128xf32>,
    return
  }
  func.func @transform_1(%arg0: i32, %arg1: i32, %arg2: memref<16xi32, #tpu.memory_space<smem>>) -> (i32, i32) {
    %add3A = arith.constant 2 : i32
    %add3A_0 = arith.addi %arg0, %add3A : i32
    %mul3A = arith.constant 2 : i32
    %mul3A_1 = arith.muli %add3A_0, %mul3A : i32
    %add3A_2 = arith.addi %mul3A_1, %arg1 : i32
    %c0_i32 = arith.constant 0 : i32
    %c0_i32_3 = arith.constant 0 : i32
    return %add3A_2, %c0_i32 : i32, i32
  }
  func.func @transform_2(%arg0: i32, %arg1: i32, %arg2: memref<16xi32, #tpu.memory_space<smem>>) -> (i32, i32) {
    %add3A = arith.constant 2 : i32
    %add3A_0 = arith.addi %arg0, %add3A : i32
    %mul3A = arith.constant 2 : i32
    %mul3A_1 = arith.muli %add3A_0, %mul3A : i32
    %add3A_2 = arith.addi %mul3A_1, %arg1 : i32
    %c0_i32 = arith.constant 0 : i32
    %c0_i32_3 = arith.constant 0 : i32
    return %add3A_2, %c0_i32 : i32, i32
  }
  func.func @transform_3(%arg0: i32, %arg1: i32, %arg2: memref<16xi32, #tpu.memory_space<smem>>) -> (i32, i32) {
    %add3A = arith.constant 2 : i32
    %add3A_0 = arith.addi %arg0, %add3A : i32
    %mul3A = arith.constant 2 : i32
    %mul3A_1 = arith.muli %add3A_0, %mul3A : i32
    %add3A_2 = arith.addi %mul3A_1, %arg1 : i32
    %c0_i32 = arith.constant 0 : i32
    %c0_i32_3 = arith.constant 0 : i32
    return %add3A_2, %c0_i32 : i32, i32
  }
}

</mosaic_0001>

<sc_bundles>
// kernel: kernel.5.cloned.1.call-start
scs
__scs_entry_jumppad:
0x0: {  	(pc) =	sbr.rel $0x88, $3  }
0x1: {  	(tag) =	ssettag $0x0;
	lr =	simm.s32 $0x1  }
0x2: {  	[smem:$0x3F9C] =	sst lr;
	_ =	strace $0xD0000000  }
0x3: {  	_ = 	snop  }
0x4: {  	_ = 	snop  }
0x5: {  	_ = 	snop  }
0x6: {  	_ = 	snop  }
0x7: {  	_ = 	snop  }
__scs_overlays_trampoline_lowered:
0x8: {  	[smem:$0x3FAB] =	sst s0  }
0x9: {  	[smem:$0x3FAC] =	sst s1  }
0xa: {  	[smem:$0x3FAD] =	sst s2  }
0xb: {  	[smem:$0x3FAE] =	sst s3  }
0xc: {  	[smem:$0x3FAF] =	sst s4  }
0xd: {  	[smem:$0x3FB0] =	sst s5  }
0xe: {  	[smem:$0x3FB1] =	sst s6  }
0xf: {  	[smem:$0x3FB2] =	sst s7  }
0x10: {  	[smem:$0x3FB3] =	sst s8  }
0x11: {  	[smem:$0x3FB4] =	sst s9;
	s0 =	simm.s32 @!p0 $0x0  }
0x12: {  	s1 =	sld [smem:$0x3F9A];
	s0 =	simm.s32 @p0 $0x1  }
0x13: {  	[smem:$0x3FB5] =	sst s0;
	s0 =	simm.s32 @!p1 $0x0  }
0x14: {  	s2 =	sld [smem:$0x3F99];
	s0 =	simm.s32 @p1 $0x1  }
0x15: {  	[smem:$0x3FB6] =	sst s0;
	s0 =	simm.s32 @!p2 $0x0  }
0x16: {  	s3 =	sld [smem:$0x3FDB];
	s0 =	simm.s32 @p2 $0x1  }
0x17: {  	s4 =	simm.s32 $0x1BF5;
	[smem:$0x3FB8] =	sst s0  }
0x18: {  	s0 =	sld [smem:$0x3F9B];
	_ =	swait.ge [sflag:s4], $0x0  }
0x19: {  	s7 =	sld [smem:$0x3F9C]  }
0x1a: {  	s8 =	sadd.s32 $0xFFFFE003, lr  }
0x1b: {  	s9 =	sadd.s32 $0xFFFFFEF7, lr;
	s5 =	simm.s32 $0xFFFFFFFF;
	p2 =	slt.u32 s8, $0xFFFFF086  }
0x1c: {  	p1 =	slt.u32 s9, $0xF7A;
	s5 =	simm.s32 @!p2 $0x0  }
0x1d: {  	s5 =	simm.s32 @p1 $0x1;
	p0 =	seq.s32 s7, s2  }
0x1e: {  	s7 =	smul.u32 @!p0 $0xF7A, s2;
	p2 =	seq.s32 @!p0 s5, $0x0  }
0x1f: {  	s9 =	smul.u32 $0xF7A, s1;
	s8 =	simm.s32 @!p0 $0x1BF5;
	p2 =	por !p2, p0  }
0x20: {  	[sflag:s8] =	ssyncset.s32 @!p0 $0xFFFFF086;
	s6 =	sadd.s32 @!p0 s3, s7;
	s7 =	simm.s32 @!p0 $0x108  }
0x21: {  	s3 =	sadd.s32 s3, s9;
	s6 =	sadd.s32 @!p0 $0x88, s6;
	s7 =	simm.s32 @p2 $0x1082  }
0x22: {  	[simem:s7], [sflag:s8] =	dma.local @!p0 [hbm:s6], $0xF7A  }
0x23: {  	s9 =	sor.u32 $0xD0000000, s2;
	s6 =	simm.s32 $0x108;
	_ =	swait.ge @!p0 [sflag:s8], $0x0  }
0x24: {  	s3 =	sadd.s32 $0x88, s3;
	s6 =	simm.s32 @!p1 $0x1082;
	[sflag:s4] =	ssyncset.s32 $0xFFFFF086  }
0x25: {  	[simem:s6], [sflag:s4] =	dma.local [hbm:s3], $0xF7A  }
0x26: {  	[smem:$0x3F9C] =	sst s1;
	(tag) =	ssettag s2;
	_ =	strace s9  }
0x27: {  	s1 =	sld [smem:$0x3FAC]  }
0x28: {  	s2 =	sld [smem:$0x3FAD]  }
0x29: {  	s4 =	sld [smem:$0x3FAF]  }
0x2a: {  	p0 =	seq.s32 s5, $0x0;
	s5 =	sld [smem:$0x3FB0]  }
0x2b: {  	s6 =	sld [smem:$0x3FB1]  }
0x2c: {  	s7 =	sld [smem:$0x3FB2]  }
0x2d: {  	s3 =	simm.s32 $0x108;
	s8 =	sld [smem:$0x3FB3]  }
0x2e: {  	s3 =	simm.s32 @!p0 $0x1082;
	s9 =	sld [smem:$0x3FB4]  }
0x2f: {  	lr =	sadd.s32 s0, s3;
	s0 =	sld [smem:$0x3FAB]  }
0x30: {  	s3 =	sld [smem:$0x3FAE]  }
0x31: {  	[smem:$0x3FB7] =	sst s10  }
0x32: {  	s10 =	sld [smem:$0x3FB5];
	_ =	sdelay $0x3  }
0x33: {  	p0 =	seq.s32 s10, $0x1;
	s10 =	sld [smem:$0x3FB7];
	_ =	sdelay $0x3  }
0x34: {  	[smem:$0x3FB7] =	sst s10  }
0x35: {  	s10 =	sld [smem:$0x3FB6];
	_ =	sdelay $0x3  }
0x36: {  	p1 =	seq.s32 s10, $0x1;
	s10 =	sld [smem:$0x3FB7];
	_ =	sdelay $0x3  }
0x37: {  	[smem:$0x3FB7] =	sst s10  }
0x38: {  	s10 =	sld [smem:$0x3FB8]  }
0x39: {  	_ = 	snop;
	(pc) =	sbr.ind lr, $3  }
0x3a: {  	_ = 	snop  }
0x3b: {  	_ = 	snop  }
0x3c: {  	p2 =	seq.s32 s10, $0x1;
	s10 =	sld [smem:$0x3FB7]  }
0x3d: {  	_ =	shalt  }
0x3e: {  	_ =	shalt  }
0x3f: {  	_ =	shalt  }
0x40: {  	_ =	shalt  }
0x41: {  	_ =	shalt  }
0x42: {  	_ =	shalt  }
0x43: {  	_ =	shalt  }
0x44: {  	_ =	shalt  }
0x45: {  	_ =	shalt  }
0x46: {  	_ =	shalt  }
0x47: {  	_ =	shalt  }
0x48: {  	_ =	shalt  }
0x49: {  	_ =	shalt  }
0x4a: {  	_ =	shalt  }
0x4b: {  	_ =	shalt  }
0x4c: {  	_ =	shalt  }
0x4d: {  	_ =	shalt  }
0x4e: {  	_ =	shalt  }
0x4f: {  	_ =	shalt  }
0x50: {  	_ =	shalt  }
0x51: {  	_ =	shalt  }
0x52: {  	_ =	shalt  }
0x53: {  	_ =	shalt  }
0x54: {  	_ =	shalt  }
0x55: {  	_ =	shalt  }
0x56: {  	_ =	shalt  }
0x57: {  	_ =	shalt  }
0x58: {  	_ =	shalt  }
0x59: {  	_ =	shalt  }
0x5a: {  	_ =	shalt  }
0x5b: {  	_ =	shalt  }
0x5c: {  	_ =	shalt  }
0x5d: {  	_ =	shalt  }
0x5e: {  	_ =	shalt  }
0x5f: {  	_ =	shalt  }
0x60: {  	_ =	shalt  }
0x61: {  	_ =	shalt  }
0x62: {  	_ =	shalt  }
0x63: {  	_ =	shalt  }
0x64: {  	_ =	shalt  }
0x65: {  	_ =	shalt  }
0x66: {  	_ =	shalt  }
0x67: {  	_ =	shalt  }
0x68: {  	_ =	shalt  }
0x69: {  	_ =	shalt  }
0x6a: {  	_ =	shalt  }
0x6b: {  	_ =	shalt  }
0x6c: {  	_ =	shalt  }
0x6d: {  	_ =	shalt  }
0x6e: {  	_ =	shalt  }
0x6f: {  	_ =	shalt  }
0x70: {  	_ =	shalt  }
0x71: {  	_ =	shalt  }
0x72: {  	_ =	shalt  }
0x73: {  	_ =	shalt  }
0x74: {  	_ =	shalt  }
0x75: {  	_ =	shalt  }
0x76: {  	_ =	shalt  }
0x77: {  	_ =	shalt  }
0x78: {  	_ =	shalt  }
0x79: {  	_ =	shalt  }
0x7a: {  	_ =	shalt  }
0x7b: {  	_ =	shalt  }
0x7c: {  	_ =	shalt  }
0x7d: {  	_ =	shalt  }
0x7e: {  	_ =	shalt  }
0x7f: {  	_ =	shalt  }
0x80: {  	_ =	shalt  }
0x81: {  	_ =	shalt  }
0x82: {  	_ =	shalt  }
0x83: {  	_ =	shalt  }
0x84: {  	_ =	shalt  }
0x85: {  	_ =	shalt  }
0x86: {  	_ =	shalt  }
0x87: {  	_ =	shalt  }
.Lfunc_end0:
.L_simem_size_0:
called_computation_lowered:
.L_overlay_start_0:
0x88: {  	s2 =	sld [smem:$0x3FD9]  }
0x89: {  	s3 =	sld [smem:$0x3FFE];
	_ =	sdelay $0x1  }
0x8a: {  	s1 =	srdreg.scid  }
0x8b: {  	s0 =	sand.u32 $0x1, s1  }
0x8c: {  	s15 =	sshll.u32 s0, $0xA;
	s2 =	sadd.s32 s3, s2  }
0x8d: {  	s2 =	sadd.s32 s2, s15  }
0x8e: {  	[smem:$0x3FC3] =	sst s2  }
0x8f: {  	_ = 	snop  }
0x90: {  	s2 =	sld [smem:$0x3FD0]  }
0x91: {  	s16 =	sld [smem:$0x3FC8]  }
0x92: {  	s4 =	sld [smem:$0x3FC7]  }
0x93: {  	s6 =	simm.s32 $0xA;
	s7 =	simm.s32 $0x10;
	s5 =	sld [smem:$0x3FC5]  }
0x94: {  	[smem:s7], [sflag:s6] =	dma.local [hbm:s2], $0x1  }
0x95: {  	_ =	swait.eq [sflag:s6], $0x1  }
0x96: {  	[sflag:s6] =	ssyncset.done $0x0  }
0x97: {  	[sflag:s6] =	ssyncadd.s32 $0xFFFFFFFF  }
0x98: {  	s17 =	sld [smem:$0x11];
	(tm) =	ssettm $0x1  }
0x99: {  	s18 =	sld [smem:$0x3FFB];
	_ =	sdelay $0x3  }
0x9a: {  	_ =	strace s18  }
0x9b: {  	s6 =	sld [smem:$0x3FFC];
	_ =	sdelay $0x3  }
0x9c: {  	_ =	strace s6  }
0x9d: {  	s6 =	sld [smem:$0x3FFD];
	_ =	sdelay $0x3  }
0x9e: {  	_ =	strace s6  }
0x9f: {  	_ =	strace $0x8FFFFFFF  }
0xa0: {  	s19 =	sld [smem:$0x3FDB];
	_ =	sdelay $0x1  }
0xa1: {  	s20 =	simm.s32 $_scs_section_size  }
0xa2: {  	s8 =	simm.s32 $_size__tile_overlayer_lowered;
	s9 =	simm.s32 $_tile_overlayer_lowered  }
0xa3: {  	s23 =	simm.s32 $0x1BFF;
	s22 =	sshll.u32 s9, $0x1;
	s6 =	sadd.s32 s20, s19  }
0xa4: {  	s10 =	simm.s32 $0x0;
	s21 =	sshll.u32 s8, $0x1;
	s8 =	sadd.s32 s22, s6  }
0xa5: {  	[timem:s10], [sflag:s23] =	dma.local [hbm:s8], s21  }
0xa6: {  	_ =	swait.ge [sflag:s23], s21  }
0xa7: {  	s7 =	ssub.s32 $0x0, s21;
	[sflag:s23] =	ssyncset.done $0x0  }
0xa8: {  	[sflag:s23] =	ssyncadd.s32 s7;
	_ =	sdelay $0x1  }
0xa9: {  	s24 =	simm.s32 $0x1B8B  }
0xaa: {  	_ =	swait.ge [sflag:s24], $0x1  }
0xab: {  	[sflag:s24] =	ssyncset.done $0x0  }
0xac: {  	s25 =	simm.s32 $0x1B8E;
	[sflag:s24] =	ssyncadd.s32 $0xFFFFFFFF  }
0xad: {  	s26 =	simm.s32 $execute0_lowered;
	[smem:$0x3FD2] =	sst s25  }
0xae: {  	s7 =	sshll.u32 s26, $0x1;
	_ =	strace $0x80000046;
	[dreg:$0x1] =	wrdreg $0xFFFFFFFF  }
0xaf: {  	s28 =	simm.s32 $_size_execute0_lowered;
	s6 =	sadd.s32 s6, s7;
	[dreg:$0x0] =	wrdreg $0x0  }
0xb0: {  	s7 =	sshll.u32 s28, $0x1;
	[dreg:$0x2] =	wrdreg s6  }
0xb1: {  	[dreg:$0x3] =	wrdreg s7  }
0xb2: {  	[dreg:$0x4] =	wrdreg $0xC0  }
0xb3: {  	_ =	task [dreg:s10], $0x5FFFF  }
0xb4: {  	[dreg:$0x1] =	wrdreg $0xFFFFFFFF  }
0xb5: {  	[dreg:$0x0] =	wrdreg $0x60  }
0xb6: {  	[dreg:$0x2] =	wrdreg s4  }
0xb7: {  	[dreg:$0x3] =	wrdreg s16  }
0xb8: {  	[dreg:$0x4] =	wrdreg s5  }
0xb9: {  	[dreg:$0x5] =	wrdreg s17  }
0xba: {  	[dreg:$0x6] =	wrdreg $0x9  }
0xbb: {  	_ =	task.clear_ibuf [dreg:s10], $0x7FFFF;
	_ =	strace $0x90000046  }
0xbc: {  	s29 =	simm.s32 $0x9;
	_ =	strace $0x80000048  }
0xbd: {  	_ =	swait.ge [sflag:s29], $0x1  }
0xbe: {  	[sflag:s29] =	ssyncadd.s32 $0xFFFFFFFF  }
0xbf: {  	_ =	strace $0x90000048  }
0xc0: {  	_ =	sfence  }
0xc1: {  	s30 =	sld [smem:$0x0];
	_ =	sdelay $0x2  }
0xc2: {  	s31 =	sshll.u32 s1, $0xD;
	s1 =	sshrl.u32 s1, $0x2  }
0xc3: {  	s3 =	sand.u32 $0x4000, s31;
	s1 =	sadd.s32 s1, s30  }
0xc4: {  	s0 =	sor.u32 s3, s0;
	s1 =	sshll.u32 s1, $0x11  }
0xc5: {  	s0 =	sor.u32 s1, s0  }
0xc6: {  	s0 =	sadd.s32 $0x8F2B, s0  }
0xc7: {  	[sflag:s0] =	ssyncadd.remote.s32 $0x1  }
0xc8: {  	_ =	sfence.sel $0xFFFF  }
0xc9: {  	[dreg:$0x0] =	wrdreg $0xFFFFFFFF;
	(pc) =	sbr.abs _section_cstart, $3  }
0xca: {  	[dreg:$0x1] =	wrdreg $0xFFFFFFFF  }
0xcb: {  	_ =	task.clear_ibuf [dreg:s10], $0x2FFFF;
	_ =	strace $0x9FFFFFFF  }
0xcc: {  	(tm) =	ssettm $0x7FFFFFFF  }
0xcd: {  	_ =	shalt  }
tec
execute0_lowered:
.L_overlay_start_1:
0x0: {  	(tag) =	ssettag $0x1  }
0x1: {  	s0 =	rddreg [dreg:$0x0]  }
0x2: {  	s1 =	rddreg [dreg:$0x2]  }
0x3: {  	s8 =	rddreg [dreg:$0x3]  }
0x4: {  	s2 =	rddreg [dreg:$0x4];
	s4 =	srdreg.scid  }
0x5: {  	s3 =	simm.s32 $0x0;
	s6 =	stileid.u32;
	[dreg:$0x5] =	wrdreg s0  }
0x6: {  	p0 =	por $0x0, $0x0;
	s31 =	simm.s32 $0x10880;
	s0 =	rddreg [dreg:$0x1]  }
0x7: {  	s4 =	sand.u32 $0x1, s4;
	[smem:$0x7FF] =	sst s3;
	s6 =	sshll.u32 s6, $0x1  }
0x8: {  	s5 =	ssub.s32 $0x2, s4;
	_ =	strace $0x80000047;
	s4 =	sor.u32 s4, s6  }
0x9: {  	s7 =	sshrl.u32 s5, $0x1;
	s6 =	sshll.u32 s4, $0x8;
	s19 =	sshll.u32 s4, $0xF  }
0xa: {  	s13 =	sshll.u32 s4, $0xB;
	s4 =	simm.s32 $0x6;
	s5 =	ssub.s32 s5, s7  }
0xb: {  	s1 =	sadd.s32 s1, s6;
	s6 =	sor.u32 $0x1000, s19;
	s29 =	sadd.s32 s0, s19  }
0xc: {  	s28 =	sadd.s32 s8, s19;
	s9 =	sor.u32 $0x2000, s19;
	s10 =	sor.u32 $0x3000, s19  }
0xd: {  	s11 =	sor.u32 $0x4000, s19;
	s12 =	sor.u32 $0x5000, s19;
	s14 =	sor.u32 $0x6000, s19  }
0xe: {  	s17 =	sor.u32 $0x7000, s19;
	v0 =	vmov s13;
	s13 =	simm.s32 $0x10;
	[dreg:$0x6] =	wrdreg s1  }
0xf: {  	s30 =	sadd.s32 s0, s6;
	s26 =	sadd.s32 s0, s9;
	s25 =	sadd.s32 s8, s6  }
0x10: {  	s24 =	sadd.s32 s0, s10;
	s23 =	sadd.s32 s8, s9;
	s22 =	sadd.s32 s0, s11  }
0x11: {  	s21 =	sadd.s32 s8, s10;
	s20 =	sadd.s32 s0, s12;
	s19 =	smax.u32 s5, $0x1  }
0x12: {  	s18 =	sadd.s32 s8, s11;
	s16 =	sadd.s32 s0, s14;
	p1 =	sne.s32 s19, $0x1  }
.Ltmp0:
0x13: {  	s15 =	sadd.s32 s8, s12;
	s11 =	sadd.s32 s0, s17;
	(pc) =	sbr.rel @!p1 .LBB2_1-.Ltmp0, $4  }
0x14: {  	s7 =	sadd.s32 s8, s14;
	s6 =	sadd.s32 s8, s17;
	s5 =	simm.s32 $0x10000  }
0x15: {  	s10 =	simm.s32 $0x10800;
	s9 =	simm.s32 $0x8000;
	s14 =	simm.s32 $0x3  }
0x16: {  	s17 =	simm.s32 $0x2;
	s12 =	simm.s32 $0x4;
	s8 =	simm.s32 $0x5  }
0x17: {  	s0 =	sadd.s32 $0xFFFFFFFF, s19;
	s19 =	simm.s32 $0x1;
	s1 =	rddreg [dreg:$0x6]  }
0x18: {  	[tilespmem:s5], [sflag:$0x5] =	stream.linear.gather [hbm4b:s1+s3], $0x800, $0x38;
	[tilespmem:$0x10900] =	vst v63  }
0x19: {  	s2 =	smov.u32 s0;
	s0 =	rddreg [dreg:$0x5]  }
0x1a: {  	[tilespmem:s10], [sflag:$0x6] =	stream.linear.gather [hbm4b:s0+s3], $0x80, $0x38;
	[tilespmem:$0x10900] =	vst v63  }
0x1b: {  	_ =	swait.ge [sflag:s4], $0x80  }
0x1c: {  	[sflag:s4] =	ssyncset.done $0x0  }
0x1d: {  	[sflag:s4] =	ssyncadd.s32 $0xFFFFFF80  }
0x1e: {  	v1 =	vld [tilespmem:$0x10800];
	_ =	sdelay $0x4  }
0x1f: {  	v1 =	vadd.s32 v0, v1  }
0x20: {  	[tilespmem:$0x10880] =	vst v1  }
0x21: {  	[tilespmem:s3], [sflag:$0x1] =	stream.linear.gather [hbm4b:s29+s3], $0x8000, $0x38;
	[tilespmem:$0x10900] =	vst v63  }
0x22: {  	_ = 	snop  }
0x23: {  	[tilespmem:s9], [sflag:$0x2] =	stream.linear.gather [hbm4b:s30+s3], $0x8000, $0x38;
	[tilespmem:$0x10900] =	vst v63  }
0x24: {  	_ =	swait.ge [sflag:s19], $0x8000  }
0x25: {  	[sflag:s19] =	ssyncset.done $0x0  }
0x26: {  	[sflag:s19] =	ssyncadd.s32 $0xFFFF8000  }
0x27: {  	[hbm4b:s28+s3] =	stream.linear.scatter [tilespmem:s3], [sflag:$0x3], $0x8000, $0x38;
	[tilespmem:$0x10900] =	vst v63  }
0x28: {  	_ =	swait.ge [sflag:s14], $0x8000  }
0x29: {  	[sflag:s14] =	ssyncset.done $0x0  }
0x2a: {  	[sflag:s14] =	ssyncadd.s32 $0xFFFF8000  }
0x2b: {  	[tilespmem:s3], [sflag:$0x1] =	stream.linear.gather [hbm4b:s26+s3], $0x8000, $0x38;
	[tilespmem:$0x10900] =	vst v63  }
0x2c: {  	_ =	swait.ge [sflag:s17], $0x8000  }
0x2d: {  	[sflag:s17] =	ssyncset.done $0x0  }
0x2e: {  	[sflag:s17] =	ssyncadd.s32 $0xFFFF8000  }
0x2f: {  	[hbm4b:s25+s3] =	stream.linear.scatter [tilespmem:s9], [sflag:$0x4], $0x8000, $0x38;
	[tilespmem:$0x10900] =	vst v63  }
0x30: {  	_ =	swait.ge [sflag:s12], $0x8000  }
0x31: {  	[sflag:s12] =	ssyncset.done $0x0  }
0x32: {  	[sflag:s12] =	ssyncadd.s32 $0xFFFF8000  }
0x33: {  	[tilespmem:s9], [sflag:$0x2] =	stream.linear.gather [hbm4b:s24+s3], $0x8000, $0x38;
	[tilespmem:$0x10900] =	vst v63  }
0x34: {  	_ =	swait.ge [sflag:s19], $0x8000  }
0x35: {  	[sflag:s19] =	ssyncset.done $0x0  }
0x36: {  	[sflag:s19] =	ssyncadd.s32 $0xFFFF8000  }
0x37: {  	[hbm4b:s23+s3] =	stream.linear.scatter [tilespmem:s3], [sflag:$0x3], $0x8000, $0x38;
	[tilespmem:$0x10900] =	vst v63  }
0x38: {  	_ =	swait.ge [sflag:s14], $0x8000  }
0x39: {  	[sflag:s14] =	ssyncset.done $0x0  }
0x3a: {  	[sflag:s14] =	ssyncadd.s32 $0xFFFF8000  }
0x3b: {  	[tilespmem:s3], [sflag:$0x1] =	stream.linear.gather [hbm4b:s22+s3], $0x8000, $0x38;
	[tilespmem:$0x10900] =	vst v63  }
0x3c: {  	_ =	swait.ge [sflag:s17], $0x8000  }
0x3d: {  	[sflag:s17] =	ssyncset.done $0x0  }
0x3e: {  	[sflag:s17] =	ssyncadd.s32 $0xFFFF8000  }
0x3f: {  	[hbm4b:s21+s3] =	stream.linear.scatter [tilespmem:s9], [sflag:$0x4], $0x8000, $0x38;
	[tilespmem:$0x10900] =	vst v63  }
0x40: {  	_ =	swait.ge [sflag:s12], $0x8000  }
0x41: {  	[sflag:s12] =	ssyncset.done $0x0  }
0x42: {  	[sflag:s12] =	ssyncadd.s32 $0xFFFF8000  }
0x43: {  	[tilespmem:s9], [sflag:$0x2] =	stream.linear.gather [hbm4b:s20+s3], $0x8000, $0x38;
	[tilespmem:$0x10900] =	vst v63  }
0x44: {  	_ =	swait.ge [sflag:s19], $0x8000  }
0x45: {  	[sflag:s19] =	ssyncset.done $0x0  }
0x46: {  	[sflag:s19] =	ssyncadd.s32 $0xFFFF8000  }
0x47: {  	[hbm4b:s18+s3] =	stream.linear.scatter [tilespmem:s3], [sflag:$0x3], $0x8000, $0x38;
	[tilespmem:$0x10900] =	vst v63  }
0x48: {  	_ =	swait.ge [sflag:s14], $0x8000  }
0x49: {  	[sflag:s14] =	ssyncset.done $0x0  }
0x4a: {  	[sflag:s14] =	ssyncadd.s32 $0xFFFF8000  }
0x4b: {  	[tilespmem:s3], [sflag:$0x1] =	stream.linear.gather [hbm4b:s16+s3], $0x8000, $0x38;
	[tilespmem:$0x10900] =	vst v63  }
0x4c: {  	_ =	swait.ge [sflag:s17], $0x8000  }
0x4d: {  	[sflag:s17] =	ssyncset.done $0x0  }
0x4e: {  	[sflag:s17] =	ssyncadd.s32 $0xFFFF8000  }
0x4f: {  	[hbm4b:s15+s3] =	stream.linear.scatter [tilespmem:s9], [sflag:$0x4], $0x8000, $0x38;
	[tilespmem:$0x10900] =	vst v63  }
0x50: {  	_ =	swait.ge [sflag:s12], $0x8000  }
0x51: {  	[sflag:s12] =	ssyncset.done $0x0  }
0x52: {  	[sflag:s12] =	ssyncadd.s32 $0xFFFF8000  }
0x53: {  	[tilespmem:s9], [sflag:$0x2] =	stream.linear.gather [hbm4b:s11+s3], $0x8000, $0x38;
	[tilespmem:$0x10900] =	vst v63  }
0x54: {  	_ =	swait.ge [sflag:s19], $0x8000  }
0x55: {  	[sflag:s19] =	ssyncset.done $0x0  }
0x56: {  	[sflag:s19] =	ssyncadd.s32 $0xFFFF8000  }
0x57: {  	[hbm4b:s7+s3] =	stream.linear.scatter [tilespmem:s3], [sflag:$0x3], $0x8000, $0x38;
	[tilespmem:$0x10900] =	vst v63  }
0x58: {  	_ =	swait.ge [sflag:s17], $0x8000  }
0x59: {  	[sflag:s17] =	ssyncset.done $0x0  }
0x5a: {  	[sflag:s17] =	ssyncadd.s32 $0xFFFF8000  }
0x5b: {  	[hbm4b:s6+s3] =	stream.linear.scatter [tilespmem:s9], [sflag:$0x4], $0x8000, $0x38;
	[tilespmem:$0x10900] =	vst v63  }
0x5c: {  	_ =	swait.ge [sflag:s14], $0x8000  }
0x5d: {  	[sflag:s14] =	ssyncset.done $0x0  }
0x5e: {  	[sflag:s14] =	ssyncadd.s32 $0xFFFF8000  }
0x5f: {  	_ =	swait.ge [sflag:s12], $0x8000  }
0x60: {  	[sflag:s12] =	ssyncset.done $0x0  }
0x61: {  	[sflag:s12] =	ssyncadd.s32 $0xFFFF8000  }
0x62: {  	_ =	swait.ge [sflag:s8], $0x800  }
0x63: {  	p1 =	sne.s32 s2, $0x1;
	[sflag:s8] =	ssyncset.done $0x0  }
.Ltmp1:
0x64: {  	[sflag:s8] =	ssyncadd.s32 $0xFFFFF800;
	(pc) =	sbr.rel @!p1 .LBB2_3-.Ltmp1, $4  }
0x65: {  	s1 =	rddreg [dreg:$0x3]  }
0x66: {  	[hbm4b:s1+s13] =	stream.indirect.scatter [tilespmem:s5], [sflag:$0x6], $0x80, s31, s13, $0xb8;
	[tilespmem:$0x10900] =	vst v63  }
0x67: {  	p0 =	por $0x1, $0x1;
	_ =	swait.ge [sflag:s4], $0x800  }
0x68: {  	s0 =	sadd.s32 $0xFFFFFFFF, s2;
	s1 =	rddreg [dreg:$0x6];
	[sflag:s4] =	ssyncset.done $0x0  }
.LBB2_4:
0x69: {  	[sflag:s4] =	ssyncadd.s32 $0xFFFFF800  }
0x6a: {  	[tilespmem:s5], [sflag:$0x5] =	stream.linear.gather [hbm4b:s1+s3], $0x800, $0x38;
	[tilespmem:$0x10900] =	vst v63  }
0x6b: {  	s2 =	rddreg [dreg:$0x5]  }
0x6c: {  	[tilespmem:s10], [sflag:$0x6] =	stream.linear.gather [hbm4b:s2+s3], $0x80, $0x38;
	[tilespmem:$0x10900] =	vst v63  }
0x6d: {  	_ =	swait.ge [sflag:s4], $0x80  }
0x6e: {  	[sflag:s4] =	ssyncset.done $0x0  }
0x6f: {  	[sflag:s4] =	ssyncadd.s32 $0xFFFFFF80  }
0x70: {  	v1 =	vld [tilespmem:$0x10800];
	_ =	sdelay $0x4  }
0x71: {  	v1 =	vadd.s32 v0, v1  }
0x72: {  	[tilespmem:$0x10880] =	vst v1  }
0x73: {  	[tilespmem:s3], [sflag:$0x1] =	stream.linear.gather [hbm4b:s29+s3], $0x8000, $0x38;
	[tilespmem:$0x10900] =	vst v63  }
0x74: {  	_ = 	snop  }
0x75: {  	[tilespmem:s9], [sflag:$0x2] =	stream.linear.gather [hbm4b:s30+s3], $0x8000, $0x38;
	[tilespmem:$0x10900] =	vst v63  }
0x76: {  	_ =	swait.ge [sflag:s19], $0x8000  }
0x77: {  	[sflag:s19] =	ssyncset.done $0x0  }
0x78: {  	[sflag:s19] =	ssyncadd.s32 $0xFFFF8000  }
0x79: {  	[hbm4b:s28+s3] =	stream.linear.scatter [tilespmem:s3], [sflag:$0x3], $0x8000, $0x38;
	[tilespmem:$0x10900] =	vst v63  }
0x7a: {  	_ =	swait.ge [sflag:s14], $0x8000  }
0x7b: {  	[sflag:s14] =	ssyncset.done $0x0  }
0x7c: {  	[sflag:s14] =	ssyncadd.s32 $0xFFFF8000  }
0x7d: {  	[tilespmem:s3], [sflag:$0x1] =	stream.linear.gather [hbm4b:s26+s3], $0x8000, $0x38;
	[tilespmem:$0x10900] =	vst v63  }
0x7e: {  	_ =	swait.ge [sflag:s17], $0x8000  }
0x7f: {  	[sflag:s17] =	ssyncset.done $0x0  }
0x80: {  	[sflag:s17] =	ssyncadd.s32 $0xFFFF8000  }
0x81: {  	[hbm4b:s25+s3] =	stream.linear.scatter [tilespmem:s9], [sflag:$0x4], $0x8000, $0x38;
	[tilespmem:$0x10900] =	vst v63  }
0x82: {  	_ =	swait.ge [sflag:s12], $0x8000  }
0x83: {  	[sflag:s12] =	ssyncset.done $0x0  }
0x84: {  	[sflag:s12] =	ssyncadd.s32 $0xFFFF8000  }
0x85: {  	[tilespmem:s9], [sflag:$0x2] =	stream.linear.gather [hbm4b:s24+s3], $0x8000, $0x38;
	[tilespmem:$0x10900] =	vst v63  }
0x86: {  	_ =	swait.ge [sflag:s19], $0x8000  }
0x87: {  	[sflag:s19] =	ssyncset.done $0x0  }
0x88: {  	[sflag:s19] =	ssyncadd.s32 $0xFFFF8000  }
0x89: {  	[hbm4b:s23+s3] =	stream.linear.scatter [tilespmem:s3], [sflag:$0x3], $0x8000, $0x38;
	[tilespmem:$0x10900] =	vst v63  }
0x8a: {  	_ =	swait.ge [sflag:s14], $0x8000  }
0x8b: {  	[sflag:s14] =	ssyncset.done $0x0  }
0x8c: {  	[sflag:s14] =	ssyncadd.s32 $0xFFFF8000  }
0x8d: {  	[tilespmem:s3], [sflag:$0x1] =	stream.linear.gather [hbm4b:s22+s3], $0x8000, $0x38;
	[tilespmem:$0x10900] =	vst v63  }
0x8e: {  	_ =	swait.ge [sflag:s17], $0x8000  }
0x8f: {  	[sflag:s17] =	ssyncset.done $0x0  }
0x90: {  	[sflag:s17] =	ssyncadd.s32 $0xFFFF8000  }
0x91: {  	[hbm4b:s21+s3] =	stream.linear.scatter [tilespmem:s9], [sflag:$0x4], $0x8000, $0x38;
	[tilespmem:$0x10900] =	vst v63  }
0x92: {  	_ =	swait.ge [sflag:s12], $0x8000  }
0x93: {  	[sflag:s12] =	ssyncset.done $0x0  }
0x94: {  	[sflag:s12] =	ssyncadd.s32 $0xFFFF8000  }
0x95: {  	[tilespmem:s9], [sflag:$0x2] =	stream.linear.gather [hbm4b:s20+s3], $0x8000, $0x38;
	[tilespmem:$0x10900] =	vst v63  }
0x96: {  	_ =	swait.ge [sflag:s19], $0x8000  }
0x97: {  	[sflag:s19] =	ssyncset.done $0x0  }
0x98: {  	[sflag:s19] =	ssyncadd.s32 $0xFFFF8000  }
0x99: {  	[hbm4b:s18+s3] =	stream.linear.scatter [tilespmem:s3], [sflag:$0x3], $0x8000, $0x38;
	[tilespmem:$0x10900] =	vst v63  }
0x9a: {  	_ =	swait.ge [sflag:s14], $0x8000  }
0x9b: {  	[sflag:s14] =	ssyncset.done $0x0  }
0x9c: {  	[sflag:s14] =	ssyncadd.s32 $0xFFFF8000  }
0x9d: {  	[tilespmem:s3], [sflag:$0x1] =	stream.linear.gather [hbm4b:s16+s3], $0x8000, $0x38;
	[tilespmem:$0x10900] =	vst v63  }
0x9e: {  	_ =	swait.ge [sflag:s17], $0x8000  }
0x9f: {  	[sflag:s17] =	ssyncset.done $0x0  }
0xa0: {  	[sflag:s17] =	ssyncadd.s32 $0xFFFF8000  }
0xa1: {  	[hbm4b:s15+s3] =	stream.linear.scatter [tilespmem:s9], [sflag:$0x4], $0x8000, $0x38;
	[tilespmem:$0x10900] =	vst v63  }
0xa2: {  	_ =	swait.ge [sflag:s12], $0x8000  }
0xa3: {  	[sflag:s12] =	ssyncset.done $0x0  }
0xa4: {  	[sflag:s12] =	ssyncadd.s32 $0xFFFF8000  }
0xa5: {  	[tilespmem:s9], [sflag:$0x2] =	stream.linear.gather [hbm4b:s11+s3], $0x8000, $0x38;
	[tilespmem:$0x10900] =	vst v63  }
0xa6: {  	_ =	swait.ge [sflag:s19], $0x8000  }
0xa7: {  	[sflag:s19] =	ssyncset.done $0x0  }
0xa8: {  	[sflag:s19] =	ssyncadd.s32 $0xFFFF8000  }
0xa9: {  	[hbm4b:s7+s3] =	stream.linear.scatter [tilespmem:s3], [sflag:$0x3], $0x8000, $0x38;
	[tilespmem:$0x10900] =	vst v63  }
0xaa: {  	_ =	swait.ge [sflag:s17], $0x8000  }
0xab: {  	[sflag:s17] =	ssyncset.done $0x0  }
0xac: {  	[sflag:s17] =	ssyncadd.s32 $0xFFFF8000  }
0xad: {  	[hbm4b:s6+s3] =	stream.linear.scatter [tilespmem:s9], [sflag:$0x4], $0x8000, $0x38;
	[tilespmem:$0x10900] =	vst v63  }
0xae: {  	_ =	swait.ge [sflag:s14], $0x8000  }
0xaf: {  	[sflag:s14] =	ssyncset.done $0x0  }
0xb0: {  	[sflag:s14] =	ssyncadd.s32 $0xFFFF8000  }
0xb1: {  	_ =	swait.ge [sflag:s12], $0x8000  }
0xb2: {  	[sflag:s12] =	ssyncset.done $0x0  }
0xb3: {  	[sflag:s12] =	ssyncadd.s32 $0xFFFF8000  }
0xb4: {  	_ =	swait.ge [sflag:s8], $0x800  }
0xb5: {  	p1 =	sne.s32 s0, $0x1;
	[sflag:s8] =	ssyncset.done $0x0  }
.Ltmp2:
0xb6: {  	[sflag:s8] =	ssyncadd.s32 $0xFFFFF800;
	(pc) =	sbr.rel @p1 .LBB2_4-.Ltmp2, $4  }
0xb7: {  	s2 =	rddreg [dreg:$0x3]  }
0xb8: {  	[hbm4b:s2+s13] =	stream.indirect.scatter [tilespmem:s5], [sflag:$0x6], $0x80, s31, s13, $0xb8;
	[tilespmem:$0x10900] =	vst v63  }
0xb9: {  	_ =	swait.ge [sflag:s4], $0x800  }
0xba: {  	s0 =	sadd.s32 $0xFFFFFFFF, s0;
	s1 =	rddreg [dreg:$0x6];
	[sflag:s4] =	ssyncset.done $0x0  }
0xbb: {  	s31 =	rddreg [dreg:$0x3]  }
0xbc: {  	s10 =	simm.s32 $0x10800;
	s13 =	simm.s32 $0x10;
	s2 =	rddreg [dreg:$0x4]  }
.LBB2_6:
0xbd: {  	[sflag:s4] =	ssyncadd.s32 @p0 $0xFFFFF800  }
0xbe: {  	[tilespmem:s5], [sflag:$0x5] =	stream.linear.gather [hbm4b:s1+s3], $0x800, $0x38;
	[tilespmem:$0x10900] =	vst v63  }
0xbf: {  	s0 =	rddreg [dreg:$0x5]  }
0xc0: {  	[tilespmem:s10], [sflag:$0x6] =	stream.linear.gather [hbm4b:s0+s3], $0x80, $0x38;
	[tilespmem:$0x10900] =	vst v63  }
0xc1: {  	_ =	swait.ge [sflag:s4], $0x80  }
0xc2: {  	[sflag:s4] =	ssyncset.done $0x0  }
0xc3: {  	[sflag:s4] =	ssyncadd.s32 $0xFFFFFF80  }
0xc4: {  	v1 =	vld [tilespmem:$0x10800];
	_ =	sdelay $0x4  }
0xc5: {  	v0 =	vadd.s32 v0, v1  }
0xc6: {  	[tilespmem:$0x10880] =	vst v0  }
0xc7: {  	[tilespmem:s3], [sflag:$0x1] =	stream.linear.gather [hbm4b:s29+s3], $0x8000, $0x38;
	[tilespmem:$0x10900] =	vst v63  }
0xc8: {  	_ = 	snop  }
0xc9: {  	[tilespmem:s9], [sflag:$0x2] =	stream.linear.gather [hbm4b:s30+s3], $0x8000, $0x38;
	[tilespmem:$0x10900] =	vst v63  }
0xca: {  	_ =	swait.ge [sflag:s19], $0x8000  }
0xcb: {  	[sflag:s19] =	ssyncset.done $0x0  }
0xcc: {  	[sflag:s19] =	ssyncadd.s32 $0xFFFF8000  }
0xcd: {  	[hbm4b:s28+s3] =	stream.linear.scatter [tilespmem:s3], [sflag:$0x3], $0x8000, $0x38;
	[tilespmem:$0x10900] =	vst v63  }
0xce: {  	_ =	swait.ge [sflag:s14], $0x8000  }
0xcf: {  	[sflag:s14] =	ssyncset.done $0x0  }
0xd0: {  	[sflag:s14] =	ssyncadd.s32 $0xFFFF8000  }
0xd1: {  	[tilespmem:s3], [sflag:$0x1] =	stream.linear.gather [hbm4b:s26+s3], $0x8000, $0x38;
	[tilespmem:$0x10900] =	vst v63  }
0xd2: {  	_ =	swait.ge [sflag:s17], $0x8000  }
0xd3: {  	[sflag:s17] =	ssyncset.done $0x0  }
0xd4: {  	[sflag:s17] =	ssyncadd.s32 $0xFFFF8000  }
0xd5: {  	[hbm4b:s25+s3] =	stream.linear.scatter [tilespmem:s9], [sflag:$0x4], $0x8000, $0x38;
	[tilespmem:$0x10900] =	vst v63  }
0xd6: {  	_ =	swait.ge [sflag:s12], $0x8000  }
0xd7: {  	[sflag:s12] =	ssyncset.done $0x0  }
0xd8: {  	[sflag:s12] =	ssyncadd.s32 $0xFFFF8000  }
0xd9: {  	[tilespmem:s9], [sflag:$0x2] =	stream.linear.gather [hbm4b:s24+s3], $0x8000, $0x38;
	[tilespmem:$0x10900] =	vst v63  }
0xda: {  	_ =	swait.ge [sflag:s19], $0x8000  }
0xdb: {  	[sflag:s19] =	ssyncset.done $0x0  }
0xdc: {  	[sflag:s19] =	ssyncadd.s32 $0xFFFF8000  }
0xdd: {  	[hbm4b:s23+s3] =	stream.linear.scatter [tilespmem:s3], [sflag:$0x3], $0x8000, $0x38;
	[tilespmem:$0x10900] =	vst v63  }
0xde: {  	_ =	swait.ge [sflag:s14], $0x8000  }
0xdf: {  	[sflag:s14] =	ssyncset.done $0x0  }
0xe0: {  	[sflag:s14] =	ssyncadd.s32 $0xFFFF8000  }
0xe1: {  	[tilespmem:s3], [sflag:$0x1] =	stream.linear.gather [hbm4b:s22+s3], $0x8000, $0x38;
	[tilespmem:$0x10900] =	vst v63  }
0xe2: {  	_ =	swait.ge [sflag:s17], $0x8000  }
0xe3: {  	[sflag:s17] =	ssyncset.done $0x0  }
0xe4: {  	[sflag:s17] =	ssyncadd.s32 $0xFFFF8000  }
0xe5: {  	[hbm4b:s21+s3] =	stream.linear.scatter [tilespmem:s9], [sflag:$0x4], $0x8000, $0x38;
	[tilespmem:$0x10900] =	vst v63  }
0xe6: {  	_ =	swait.ge [sflag:s12], $0x8000  }
0xe7: {  	[sflag:s12] =	ssyncset.done $0x0  }
0xe8: {  	[sflag:s12] =	ssyncadd.s32 $0xFFFF8000  }
0xe9: {  	[tilespmem:s9], [sflag:$0x2] =	stream.linear.gather [hbm4b:s20+s3], $0x8000, $0x38;
	[tilespmem:$0x10900] =	vst v63  }
0xea: {  	_ =	swait.ge [sflag:s19], $0x8000  }
0xeb: {  	[sflag:s19] =	ssyncset.done $0x0  }
0xec: {  	[sflag:s19] =	ssyncadd.s32 $0xFFFF8000  }
0xed: {  	[hbm4b:s18+s3] =	stream.linear.scatter [tilespmem:s3], [sflag:$0x3], $0x8000, $0x38;
	[tilespmem:$0x10900] =	vst v63  }
0xee: {  	_ =	swait.ge [sflag:s14], $0x8000  }
0xef: {  	[sflag:s14] =	ssyncset.done $0x0  }
0xf0: {  	[sflag:s14] =	ssyncadd.s32 $0xFFFF8000  }
0xf1: {  	[tilespmem:s3], [sflag:$0x1] =	stream.linear.gather [hbm4b:s16+s3], $0x8000, $0x38;
	[tilespmem:$0x10900] =	vst v63  }
0xf2: {  	_ =	swait.ge [sflag:s17], $0x8000  }
0xf3: {  	[sflag:s17] =	ssyncset.done $0x0  }
0xf4: {  	[sflag:s17] =	ssyncadd.s32 $0xFFFF8000  }
0xf5: {  	[hbm4b:s15+s3] =	stream.linear.scatter [tilespmem:s9], [sflag:$0x4], $0x8000, $0x38;
	[tilespmem:$0x10900] =	vst v63  }
0xf6: {  	_ =	swait.ge [sflag:s12], $0x8000  }
0xf7: {  	[sflag:s12] =	ssyncset.done $0x0  }
0xf8: {  	[sflag:s12] =	ssyncadd.s32 $0xFFFF8000  }
0xf9: {  	[tilespmem:s9], [sflag:$0x2] =	stream.linear.gather [hbm4b:s11+s3], $0x8000, $0x38;
	[tilespmem:$0x10900] =	vst v63  }
0xfa: {  	_ =	swait.ge [sflag:s19], $0x8000  }
0xfb: {  	[sflag:s19] =	ssyncset.done $0x0  }
0xfc: {  	[sflag:s19] =	ssyncadd.s32 $0xFFFF8000  }
0xfd: {  	[hbm4b:s7+s3] =	stream.linear.scatter [tilespmem:s3], [sflag:$0x3], $0x8000, $0x38;
	[tilespmem:$0x10900] =	vst v63  }
0xfe: {  	_ =	swait.ge [sflag:s17], $0x8000  }
0xff: {  	[sflag:s17] =	ssyncset.done $0x0  }
0x100: {  	[sflag:s17] =	ssyncadd.s32 $0xFFFF8000  }
0x101: {  	[hbm4b:s6+s3] =	stream.linear.scatter [tilespmem:s9], [sflag:$0x4], $0x8000, $0x38;
	[tilespmem:$0x10900] =	vst v63  }
0x102: {  	_ =	swait.ge [sflag:s14], $0x8000  }
0x103: {  	[sflag:s14] =	ssyncset.done $0x0  }
0x104: {  	[sflag:s14] =	ssyncadd.s32 $0xFFFF8000  }
0x105: {  	_ =	swait.ge [sflag:s12], $0x8000  }
0x106: {  	[sflag:s12] =	ssyncset.done $0x0  }
0x107: {  	[sflag:s12] =	ssyncadd.s32 $0xFFFF8000  }
0x108: {  	_ =	swait.ge [sflag:s8], $0x800  }
0x109: {  	[sflag:s8] =	ssyncset.done $0x0  }
0x10a: {  	s30 =	simm.s32 $0x10880;
	[sflag:s8] =	ssyncadd.s32 $0xFFFFF800  }
0x10b: {  	[hbm4b:s31+s13] =	stream.indirect.scatter [tilespmem:s5], [sflag:$0x6], $0x80, s30, s13, $0xb8;
	[tilespmem:$0x10900] =	vst v63  }
0x10c: {  	_ =	swait.ge [sflag:s4], $0x800  }
0x10d: {  	[sflag:s4] =	ssyncset.done $0x0  }
0x10e: {  	[sflag:s4] =	ssyncadd.s32 $0xFFFFF800  }
0x10f: {  	_ =	sfence.sel $0x180000  }
0x110: {  	s31 =	stileid.u32;
	[bflag:$0x0] =	sbarrier.arrive $0xFFFF  }
0x111: {  	p0 =	sne.s32 s31, $0x0;
	_ =	strace $0x90000047  }
0x112: {  	s0 =	sadd.s32 @!p0 $0x100000, s2;
	[bflag:$0x2] =	sbarrier.arrive $0xFFFF  }
0x113: {  	[sflag:s0] =	ssyncadd.tile.s32 @!p0 $0x1;
	_ =	shalt  }
.LBB2_1:
.Ltmp3:
0x114: {  	(pc) =	sbr.rel .LBB2_6-.Ltmp3, $2  }
0x115: {  	_ =	sdelay $0x2  }
0x116: {  	s10 =	simm.s32 $0x10800;
	s13 =	simm.s32 $0x10;
	s31 =	rddreg [dreg:$0x3]  }
.LBB2_3:
.Ltmp4:
0x117: {  	(pc) =	sbr.rel .LBB2_6-.Ltmp4, $3  }
0x118: {  	_ =	sdelay $0x1  }
0x119: {  	s31 =	rddreg [dreg:$0x3]  }
0x11a: {  	s10 =	simm.s32 $0x10800;
	s13 =	simm.s32 $0x10;
	s2 =	rddreg [dreg:$0x4]  }
.Lfunc_end2:
_tile_overlayer_lowered:
.L_overlay_start_2:
0x11b: {  	(tag) =	ssettag $0x2  }
0x11c: {  	s0 =	rddreg [dreg:$0x0];
	s2 =	stileid.u32  }
0x11d: {  	s1 =	rddreg [dreg:$0x1];
	p0 =	sne.s32 s2, $0x0  }
0x11e: {  	s3 =	rddreg [dreg:$0x2];
	[bflag:$0x3] =	sbarrier.arrive $0xFFFF;
	s2 =	simm.s32 @!p0 $0x1C06  }
0x11f: {  	[timem:s3], [sflag:s2] =	dma.local @!p0 [hbm:s0], s1  }
0x120: {  	s0 =	simm.s32 @!p0 $0x6  }
0x121: {  	_ =	swait.ge @!p0 [sflag:s0], s1  }
0x122: {  	s1 =	ssub.s32 @!p0 $0x0, s1;
	[sflag:s0] =	ssyncset.done @!p0 $0x0  }
0x123: {  	[sflag:s0] =	ssyncadd.s32 @!p0 s1  }
0x124: {  	[bflag:$0x3] =	sbarrier.arrive $0xFFFF  }
0x125: {  	_ =	shalt  }

</sc_bundles>
